<compile_context>
chip_gen: v7x
topology: tpu7x:2x2x1
jax: 0.10.2.dev20260603
libtpu: 0.0.44.dev20260713+nightly
codegen_flags: <defaults>
</compile_context>

<pallas_src>
import functools

import jax
import jax.numpy as jnp
from jax import lax
from jax.experimental import pallas as pl
from jax.experimental.pallas import tpu as pltpu
from jax.experimental.pallas import tpu_sc as plsc

N = 100000
F = 128
G = 512
CHUNK = 128
NBF = N // CHUNK
TAIL = N - NBF * CHUNK
TAIL_START = NBF * CHUNK
NC = 2
NS = 16
NW = NC * NS
TRIPS = (NBF + NW - 1) // NW
TAIL_WID = 13
SEG_PER_TILE = G // NS
CNT_W = 128
NBUF = 4


def _sc_segment_sums(x, batch, zsum, zcnt, ones):
    mesh = plsc.VectorSubcoreMesh(core_axis_name="c", subcore_axis_name="s")

    @functools.partial(
        pl.kernel,
        mesh=mesh,
        out_type=(
            jax.ShapeDtypeStruct((NC, G, F), jnp.float32),
            jax.ShapeDtypeStruct((NC, G, CNT_W), jnp.float32),
        ),
        scratch_types=(
            [pltpu.VMEM((CHUNK,), jnp.int32) for _ in range(NBUF)]
            + [pltpu.VMEM((CHUNK, F), jnp.float32) for _ in range(NBUF)]
            + [
                pltpu.VMEM((TAIL,), jnp.int32),
                pltpu.VMEM((TAIL, F), jnp.float32),
                pltpu.VMEM((CHUNK, CNT_W), jnp.float32),
                pltpu.VMEM_SHARED((G, F), jnp.float32),
                pltpu.VMEM_SHARED((G, CNT_W), jnp.float32),
            ]
            + [pltpu.SemaphoreType.DMA for _ in range(2 * NBUF)]
        ),
    )
    def k(x_hbm, b_hbm, zs_hbm, zc_hbm, on_hbm, ps_hbm, pc_hbm, *refs):
        idxs = refs[0:NBUF]
        rows = refs[NBUF:2 * NBUF]
        idxt, rowst, ones_v, acc_sh, cnt_sh = refs[2 * NBUF:2 * NBUF + 5]
        sg = refs[2 * NBUF + 5:2 * NBUF + 5 + NBUF]
        ss = refs[2 * NBUF + 5 + NBUF:]

        cid = lax.axis_index("c")
        sid = lax.axis_index("s")
        wid = sid * NC + cid

        @pl.when(sid == 0)
        def _():
            pltpu.sync_copy(zs_hbm, acc_sh)
            pltpu.sync_copy(zc_hbm, cnt_sh)

        pltpu.sync_copy(on_hbm, ones_v)
        plsc.subcore_barrier()

        def issue_gather(i, buf):
            b = wid + i * NW

            @pl.when(b < NBF)
            def _():
                start = pl.multiple_of(b * CHUNK, 8)
                pltpu.async_copy(b_hbm.at[pl.ds(start, CHUNK)], idxs[buf],
                                 sg[buf])
                pltpu.async_copy(x_hbm.at[pl.ds(start, CHUNK), :], rows[buf],
                                 sg[buf])

        def wait_gather(i, buf):
            b = wid + i * NW

            @pl.when(b < NBF)
            def _():
                pltpu.make_async_copy(b_hbm.at[pl.ds(0, CHUNK)], idxs[buf],
                                      sg[buf]).wait()
                pltpu.make_async_copy(x_hbm.at[pl.ds(0, CHUNK), :], rows[buf],
                                      sg[buf]).wait()

        def issue_scatter(i, buf):
            b = wid + i * NW

            @pl.when(b < NBF)
            def _():
                pltpu.async_copy(rows[buf], acc_sh.at[idxs[buf]], ss[buf],
                                 add=True)
                pltpu.async_copy(ones_v, cnt_sh.at[idxs[buf]], ss[buf],
                                 add=True)

        def wait_scatter(i, buf):
            b = wid + i * NW

            @pl.when((i >= 0) & (b < NBF))
            def _():
                pltpu.make_async_copy(rows[buf], acc_sh.at[idxs[buf]],
                                      ss[buf]).wait()
                pltpu.make_async_copy(ones_v, cnt_sh.at[idxs[buf]],
                                      ss[buf]).wait()

        issue_gather(0, 0)
        issue_gather(1, 1)

        def body(j, carry):
            for t in range(NBUF):
                i = NBUF * j + t
                buf = t
                wait_gather(i, buf)
                issue_scatter(i, buf)
                wait_scatter(i - 2, (t - 2) % NBUF)
                issue_gather(i + 2, (t + 2) % NBUF)
            return carry

        lax.fori_loop(0, (TRIPS + NBUF - 1) // NBUF, body, 0)

        nloops = (TRIPS + NBUF - 1) // NBUF
        for i in (NBUF * nloops - 2, NBUF * nloops - 1):
            wait_scatter(i, i % NBUF)

        @pl.when(wid == TAIL_WID)
        def _():
            pltpu.sync_copy(b_hbm.at[pl.ds(TAIL_START, TAIL)], idxt)
            pltpu.sync_copy(x_hbm.at[pl.ds(TAIL_START, TAIL), :], rowst)
            pltpu.sync_copy(rowst, acc_sh.at[idxt], add=True)
            pltpu.sync_copy(ones_v.at[pl.ds(0, TAIL)], cnt_sh.at[idxt],
                            add=True)

        plsc.subcore_barrier()

        r0 = sid * SEG_PER_TILE
        pltpu.sync_copy(acc_sh.at[pl.ds(r0, SEG_PER_TILE), :],
                        ps_hbm.at[cid, pl.ds(r0, SEG_PER_TILE), :])
        pltpu.sync_copy(cnt_sh.at[pl.ds(r0, SEG_PER_TILE), :],
                        pc_hbm.at[cid, pl.ds(r0, SEG_PER_TILE), :])

    return k(x, batch, zsum, zcnt, ones)


def _tc_mlp(psum, pcnt, u, w1u, w1m, b1, w2, b2):
    def body(ps, pc, u_r, w1u_r, w1m_r, b1_r, w2_r, b2_r, o_r):
        sums = ps[0] + ps[1]
        cnt = pc[0] + pc[1]
        mean = sums / jnp.maximum(cnt[:, 0:1], 1.0)
        h = (jnp.dot(u_r[...], w1u_r[...], preferred_element_type=jnp.float32)
             + jnp.dot(mean, w1m_r[...], preferred_element_type=jnp.float32)
             + b1_r[...])
        h = jnp.where(h > 0.0, h, jnp.exp(h) - 1.0)
        o_r[...] = (jnp.dot(h, w2_r[...], preferred_element_type=jnp.float32)
                    + b2_r[...])

    return pl.pallas_call(
        body,
        out_shape=jax.ShapeDtypeStruct((G, 128), jnp.float32),
    )(psum, pcnt, u, w1u, w1m, b1, w2, b2)


def kernel(x, edge_index, edge_attr, u, batch, W1, b1, W2, b2):
    del edge_index, edge_attr
    zsum = jnp.zeros((G, F), dtype=jnp.float32)
    zcnt = jnp.zeros((G, CNT_W), dtype=jnp.float32)
    ones = jnp.ones((CHUNK, CNT_W), dtype=jnp.float32)
    psum, pcnt = _sc_segment_sums(x, batch, zsum, zcnt, ones)
    g_feat = u.shape[1]
    w1u = W1[:g_feat]
    w1m = W1[g_feat:]
    return _tc_mlp(psum, pcnt, u, w1u, w1m,
                   b1.reshape(1, -1), W2, b2.reshape(1, -1))

# --- scband reference (transcript-rebuilt; emitter-appended) ---
"""Pipeline reference for scband-global-model-60069412602529 (READ-ONLY COPY).

The authoritative reference and input builder live on the scoring server;
editing this copy changes nothing except your own understanding.
"""

import jax, jax.numpy as jnp
import numpy as np

N = 100000
E = 1600000
F_NODE = 128
D_EDGE = 4
G_FEAT = 64
N_GRAPHS = 512
HIDDEN = 64
OUT = 128


def setup_inputs(seed: int = 0) -> dict:
    key = jax.random.key(seed)
    ks = jax.random.split(key, 10)
    x = jax.random.normal(ks[0], (N, F_NODE), dtype=jnp.float32)
    edge_index = jax.random.randint(ks[1], (2, E), 0, N, dtype=jnp.int32)
    edge_attr = jax.random.normal(ks[2], (E, D_EDGE), dtype=jnp.float32)
    u = jax.random.normal(ks[3], (N_GRAPHS, G_FEAT), dtype=jnp.float32)
    batch = jnp.sort(jax.random.randint(ks[4], (N,), 0, N_GRAPHS, dtype=jnp.int32))
    # global_mlp parameters: Linear(G_FEAT + F_NODE, HIDDEN), ELU, Linear(HIDDEN, OUT)
    fan_in1 = G_FEAT + F_NODE
    W1 = jax.random.uniform(ks[5], (fan_in1, HIDDEN), dtype=jnp.float32,
                            minval=-1.0, maxval=1.0) / np.sqrt(fan_in1)
    b1 = jax.random.uniform(ks[6], (HIDDEN,), dtype=jnp.float32,
                            minval=-1.0, maxval=1.0) / np.sqrt(fan_in1)
    W2 = jax.random.uniform(ks[7], (HIDDEN, OUT), dtype=jnp.float32,
                            minval=-1.0, maxval=1.0) / np.sqrt(HIDDEN)
    b2 = jax.random.uniform(ks[8], (OUT,), dtype=jnp.float32,
                            minval=-1.0, maxval=1.0) / np.sqrt(HIDDEN)
    return {"x": x, "edge_index": edge_index, "edge_attr": edge_attr,
            "u": u, "batch": batch,
            "W1": W1, "b1": b1, "W2": W2, "b2": b2}


def reference(x, edge_index, edge_attr, u, batch, W1, b1, W2, b2):
    # scatter_mean(x, batch, dim=0) with dim_size = number of graphs
    n_graphs = u.shape[0]
    sums = jax.ops.segment_sum(x, batch, num_segments=n_graphs)
    counts = jax.ops.segment_sum(jnp.ones((x.shape[0], 1), dtype=x.dtype),
                                 batch, num_segments=n_graphs)
    mean = sums / jnp.maximum(counts, 1.0)
    out = jnp.concatenate([u, mean], axis=1)
    h = jnp.dot(out, W1) + b1
    h = jax.nn.elu(h)
    return jnp.dot(h, W2) + b2

if __name__ == "__main__":
    import jax
    _d = setup_inputs()
    print(jax.jit(kernel)(*tuple(_d.values())))

</pallas_src>

<mosaic_0001>
#map = affine_map<(d0, d1) -> (0, 0)>
#map1 = affine_map<(d0, d1) -> (0)>
#map2 = affine_map<(d0, d1) -> (0, 0, 0)>
module attributes {stable_mosaic.version = 14 : i64} {
  func.func @k(%arg0: i32, %arg1: i32, %arg2: memref<100000x128xf32, #tpu.memory_space<hbm>>, %arg3: memref<100000xi32, #tpu.memory_space<hbm>>, %arg4: memref<512x128xf32, #tpu.memory_space<hbm>>, %arg5: memref<512x128xf32, #tpu.memory_space<hbm>>, %arg6: memref<128x128xf32, #tpu.memory_space<hbm>>, %arg7: memref<2x512x128xf32, #tpu.memory_space<hbm>>, %arg8: memref<2x512x128xf32, #tpu.memory_space<hbm>>, %arg9: memref<128xi32, #tpu.memory_space<vmem>>, %arg10: memref<128xi32, #tpu.memory_space<vmem>>, %arg11: memref<128xi32, #tpu.memory_space<vmem>>, %arg12: memref<128xi32, #tpu.memory_space<vmem>>, %arg13: memref<128x128xf32, #tpu.memory_space<vmem>>, %arg14: memref<128x128xf32, #tpu.memory_space<vmem>>, %arg15: memref<128x128xf32, #tpu.memory_space<vmem>>, %arg16: memref<128x128xf32, #tpu.memory_space<vmem>>, %arg17: memref<32xi32, #tpu.memory_space<vmem>>, %arg18: memref<32x128xf32, #tpu.memory_space<vmem>>, %arg19: memref<128x128xf32, #tpu.memory_space<vmem>>, %arg20: memref<512x128xf32, #tpu.memory_space<vmem_shared>>, %arg21: memref<512x128xf32, #tpu.memory_space<vmem_shared>>, %arg22: memref<!tpu.dma_semaphore, #tpu.memory_space<semaphore_mem>>, %arg23: memref<!tpu.dma_semaphore, #tpu.memory_space<semaphore_mem>>, %arg24: memref<!tpu.dma_semaphore, #tpu.memory_space<semaphore_mem>>, %arg25: memref<!tpu.dma_semaphore, #tpu.memory_space<semaphore_mem>>, %arg26: memref<!tpu.dma_semaphore, #tpu.memory_space<semaphore_mem>>, %arg27: memref<!tpu.dma_semaphore, #tpu.memory_space<semaphore_mem>>, %arg28: memref<!tpu.dma_semaphore, #tpu.memory_space<semaphore_mem>>, %arg29: memref<!tpu.dma_semaphore, #tpu.memory_space<semaphore_mem>>) attributes {dimension_semantics = [#tpu.dimension_semantics<core_parallel>, #tpu.dimension_semantics<subcore_parallel>], iteration_bounds = array<i64: 2, 16>, scalar_prefetch = 0 : i64, scratch_operands = 21 : i64, tpu.core_type = #tpu.core_type<sc_vector_subcore>, window_params = [{transform_indices = #map}, {transform_indices = #map1}, {transform_indices = #map}, {transform_indices = #map}, {transform_indices = #map}, {transform_indices = #map2}, {transform_indices = #map2}]} {
    %mul3A = arith.constant 2 : i32
    %mul3A_0 = arith.muli %arg1, %mul3A : i32
    %add3A = arith.addi %mul3A_0, %arg0 : i32
    %eq3A = arith.constant 0 : i32
    %eq3A_1 = arith.cmpi eq, %arg1, %eq3A : i32
    %convert_element_type3A = arith.extui %eq3A_1 : i1 to i32
    %cond3A = arith.constant 0 : i32
    %cond3A_2 = arith.cmpi ne, %convert_element_type3A, %cond3A : i32
    scf.if %cond3A_2 {
      "tpu.region"() ({
        %run_scoped3A = tpu.sem_alloc : memref<!tpu.dma_semaphore, #tpu.memory_space<semaphore_mem>>
        tpu.enqueue_dma source(%arg4 : memref<512x128xf32, #tpu.memory_space<hbm>>) target(%arg20 : memref<512x128xf32, #tpu.memory_space<vmem_shared>>) target_semaphore(%run_scoped3A : memref<!tpu.dma_semaphore, #tpu.memory_space<semaphore_mem>>)
        tpu.wait_dma2 semaphore(%run_scoped3A : memref<!tpu.dma_semaphore, #tpu.memory_space<semaphore_mem>>) src(%arg4 : memref<512x128xf32, #tpu.memory_space<hbm>>) dst(%arg20 : memref<512x128xf32, #tpu.memory_space<vmem_shared>>)
        tpu.yield
      }) : () -> ()
      "tpu.region"() ({
        %run_scoped3A = tpu.sem_alloc : memref<!tpu.dma_semaphore, #tpu.memory_space<semaphore_mem>>
        tpu.enqueue_dma source(%arg5 : memref<512x128xf32, #tpu.memory_space<hbm>>) target(%arg21 : memref<512x128xf32, #tpu.memory_space<vmem_shared>>) target_semaphore(%run_scoped3A : memref<!tpu.dma_semaphore, #tpu.memory_space<semaphore_mem>>)
        tpu.wait_dma2 semaphore(%run_scoped3A : memref<!tpu.dma_semaphore, #tpu.memory_space<semaphore_mem>>) src(%arg5 : memref<512x128xf32, #tpu.memory_space<hbm>>) dst(%arg21 : memref<512x128xf32, #tpu.memory_space<vmem_shared>>)
        tpu.yield
      }) : () -> ()
    } else {
    }
    "tpu.region"() ({
      %run_scoped3A = tpu.sem_alloc : memref<!tpu.dma_semaphore, #tpu.memory_space<semaphore_mem>>
      tpu.enqueue_dma source(%arg6 : memref<128x128xf32, #tpu.memory_space<hbm>>) target(%arg19 : memref<128x128xf32, #tpu.memory_space<vmem>>) target_semaphore(%run_scoped3A : memref<!tpu.dma_semaphore, #tpu.memory_space<semaphore_mem>>)
      tpu.wait_dma2 semaphore(%run_scoped3A : memref<!tpu.dma_semaphore, #tpu.memory_space<semaphore_mem>>) src(%arg6 : memref<128x128xf32, #tpu.memory_space<hbm>>) dst(%arg19 : memref<128x128xf32, #tpu.memory_space<vmem>>)
      tpu.yield
    }) : () -> ()
    %barrier3A = arith.constant 0 : index
    tpu.barrier barrier_id(%barrier3A)
    %add3A_3 = arith.constant 0 : i32
    %add3A_4 = arith.addi %add3A, %add3A_3 : i32
    %lt3A = arith.constant 781 : i32
    %lt3A_5 = arith.cmpi slt, %add3A_4, %lt3A : i32
    %convert_element_type3A_6 = arith.extui %lt3A_5 : i1 to i32
    %cond3A_7 = arith.constant 0 : i32
    %cond3A_8 = arith.cmpi ne, %convert_element_type3A_6, %cond3A_7 : i32
    scf.if %cond3A_8 {
      %mul3A_46 = arith.constant 128 : i32
      %mul3A_47 = arith.muli %add3A_4, %mul3A_46 : i32
      %multiple_of3A = tpu.assume_multiple %mul3A_47, 8 : i32
      %dma_start3A = tpu.memref_slice %arg3[%multiple_of3A] : memref<100000xi32, #tpu.memory_space<hbm>> -> memref<128xi32, #tpu.memory_space<hbm>>
      %dma_start3A_48 = tpu.memref_slice %arg3[%multiple_of3A] : memref<100000xi32, #tpu.memory_space<hbm>> -> memref<128xi32, #tpu.memory_space<hbm>>
      tpu.enqueue_dma source(%dma_start3A_48 : memref<128xi32, #tpu.memory_space<hbm>>) target(%arg9 : memref<128xi32, #tpu.memory_space<vmem>>) target_semaphore(%arg22 : memref<!tpu.dma_semaphore, #tpu.memory_space<semaphore_mem>>)
      %dma_start3A_49 = arith.constant 0 : i32
      %dma_start3A_50 = tpu.memref_slice %arg2[%multiple_of3A, %dma_start3A_49] : memref<100000x128xf32, #tpu.memory_space<hbm>> -> memref<128x128xf32, #tpu.memory_space<hbm>>
      %dma_start3A_51 = arith.constant 0 : i32
      %dma_start3A_52 = tpu.memref_slice %arg2[%multiple_of3A, %dma_start3A_51] : memref<100000x128xf32, #tpu.memory_space<hbm>> -> memref<128x128xf32, #tpu.memory_space<hbm>>
      tpu.enqueue_dma source(%dma_start3A_52 : memref<128x128xf32, #tpu.memory_space<hbm>>) target(%arg13 : memref<128x128xf32, #tpu.memory_space<vmem>>) target_semaphore(%arg22 : memref<!tpu.dma_semaphore, #tpu.memory_space<semaphore_mem>>)
    } else {
    }
    %add3A_9 = arith.constant 32 : i32
    %add3A_10 = arith.addi %add3A, %add3A_9 : i32
    %lt3A_11 = arith.constant 781 : i32
    %lt3A_12 = arith.cmpi slt, %add3A_10, %lt3A_11 : i32
    %convert_element_type3A_13 = arith.extui %lt3A_12 : i1 to i32
    %cond3A_14 = arith.constant 0 : i32
    %cond3A_15 = arith.cmpi ne, %convert_element_type3A_13, %cond3A_14 : i32
    scf.if %cond3A_15 {
      %mul3A_46 = arith.constant 128 : i32
      %mul3A_47 = arith.muli %add3A_10, %mul3A_46 : i32
      %multiple_of3A = tpu.assume_multiple %mul3A_47, 8 : i32
      %dma_start3A = tpu.memref_slice %arg3[%multiple_of3A] : memref<100000xi32, #tpu.memory_space<hbm>> -> memref<128xi32, #tpu.memory_space<hbm>>
      %dma_start3A_48 = tpu.memref_slice %arg3[%multiple_of3A] : memref<100000xi32, #tpu.memory_space<hbm>> -> memref<128xi32, #tpu.memory_space<hbm>>
      tpu.enqueue_dma source(%dma_start3A_48 : memref<128xi32, #tpu.memory_space<hbm>>) target(%arg10 : memref<128xi32, #tpu.memory_space<vmem>>) target_semaphore(%arg23 : memref<!tpu.dma_semaphore, #tpu.memory_space<semaphore_mem>>)
      %dma_start3A_49 = arith.constant 0 : i32
      %dma_start3A_50 = tpu.memref_slice %arg2[%multiple_of3A, %dma_start3A_49] : memref<100000x128xf32, #tpu.memory_space<hbm>> -> memref<128x128xf32, #tpu.memory_space<hbm>>
      %dma_start3A_51 = arith.constant 0 : i32
      %dma_start3A_52 = tpu.memref_slice %arg2[%multiple_of3A, %dma_start3A_51] : memref<100000x128xf32, #tpu.memory_space<hbm>> -> memref<128x128xf32, #tpu.memory_space<hbm>>
      tpu.enqueue_dma source(%dma_start3A_52 : memref<128x128xf32, #tpu.memory_space<hbm>>) target(%arg14 : memref<128x128xf32, #tpu.memory_space<vmem>>) target_semaphore(%arg23 : memref<!tpu.dma_semaphore, #tpu.memory_space<semaphore_mem>>)
    } else {
    }
    %scan3A = arith.constant 0 : i32
    %scan3A_16 = arith.constant 0 : i32
    %scan3A_17 = arith.constant 7 : i32
    %scan3A_18 = arith.addi %scan3A_16, %scan3A_17 : i32
    %scan3A_19 = arith.constant 1 : i32
    scf.for %scan3A_46 = %scan3A_16 to %scan3A_18 step %scan3A_19  : i32 {
      %mul3A_47 = arith.constant 4 : i32
      %mul3A_48 = arith.muli %mul3A_47, %scan3A_46 : i32
      %add3A_49 = arith.constant 0 : i32
      %add3A_50 = arith.addi %mul3A_48, %add3A_49 : i32
      %mul3A_51 = arith.constant 32 : i32
      %mul3A_52 = arith.muli %add3A_50, %mul3A_51 : i32
      %add3A_53 = arith.addi %add3A, %mul3A_52 : i32
      %lt3A_54 = arith.constant 781 : i32
      %lt3A_55 = arith.cmpi slt, %add3A_53, %lt3A_54 : i32
      %convert_element_type3A_56 = arith.extui %lt3A_55 : i1 to i32
      %cond3A_57 = arith.constant 0 : i32
      %cond3A_58 = arith.cmpi ne, %convert_element_type3A_56, %cond3A_57 : i32
      scf.if %cond3A_58 {
        %dma_wait3A = arith.constant 0 : i32
        %dma_wait3A_217 = tpu.memref_slice %arg3[%dma_wait3A] : memref<100000xi32, #tpu.memory_space<hbm>> -> memref<128xi32, #tpu.memory_space<hbm>>
        %dma_wait3A_218 = arith.constant 0 : i32
        %dma_wait3A_219 = tpu.memref_slice %arg3[%dma_wait3A_218] : memref<100000xi32, #tpu.memory_space<hbm>> -> memref<128xi32, #tpu.memory_space<hbm>>
        tpu.wait_dma2 semaphore(%arg22 : memref<!tpu.dma_semaphore, #tpu.memory_space<semaphore_mem>>) src(%dma_wait3A_219 : memref<128xi32, #tpu.memory_space<hbm>>) dst(%arg9 : memref<128xi32, #tpu.memory_space<vmem>>)
        %dma_wait3A_220 = arith.constant 0 : i32
        %dma_wait3A_221 = arith.constant 0 : i32
        %dma_wait3A_222 = tpu.memref_slice %arg2[%dma_wait3A_220, %dma_wait3A_221] : memref<100000x128xf32, #tpu.memory_space<hbm>> -> memref<128x128xf32, #tpu.memory_space<hbm>>
        %dma_wait3A_223 = arith.constant 0 : i32
        %dma_wait3A_224 = arith.constant 0 : i32
        %dma_wait3A_225 = tpu.memref_slice %arg2[%dma_wait3A_223, %dma_wait3A_224] : memref<100000x128xf32, #tpu.memory_space<hbm>> -> memref<128x128xf32, #tpu.memory_space<hbm>>
        tpu.wait_dma2 semaphore(%arg22 : memref<!tpu.dma_semaphore, #tpu.memory_space<semaphore_mem>>) src(%dma_wait3A_225 : memref<128x128xf32, #tpu.memory_space<hbm>>) dst(%arg13 : memref<128x128xf32, #tpu.memory_space<vmem>>)
      } else {
      }
      %mul3A_59 = arith.constant 32 : i32
      %mul3A_60 = arith.muli %add3A_50, %mul3A_59 : i32
      %add3A_61 = arith.addi %add3A, %mul3A_60 : i32
      %lt3A_62 = arith.constant 781 : i32
      %lt3A_63 = arith.cmpi slt, %add3A_61, %lt3A_62 : i32
      %convert_element_type3A_64 = arith.extui %lt3A_63 : i1 to i32
      %cond3A_65 = arith.constant 0 : i32
      %cond3A_66 = arith.cmpi ne, %convert_element_type3A_64, %cond3A_65 : i32
      scf.if %cond3A_66 {
        %dma_start3A = arith.constant 0 : i32
        %dma_start3A_217 = arith.constant 0 : i32
        %dma_start3A_218 = tpu.memref_slice %arg20[%dma_start3A, %dma_start3A_217] : memref<512x128xf32, #tpu.memory_space<vmem_shared>> -> memref<512x128xf32, #tpu.memory_space<vmem_shared>>
        tpu.enqueue_indirect_dma source(%arg13 : memref<128x128xf32, #tpu.memory_space<vmem>>) target(%dma_start3A_218 : memref<512x128xf32, #tpu.memory_space<vmem_shared>>) offsets(%arg9 : memref<128xi32, #tpu.memory_space<vmem>>) semaphore(%arg26 : memref<!tpu.dma_semaphore, #tpu.memory_space<semaphore_mem>>) {add = true}
        %dma_start3A_219 = arith.constant 0 : i32
        %dma_start3A_220 = arith.constant 0 : i32
        %dma_start3A_221 = tpu.memref_slice %arg21[%dma_start3A_219, %dma_start3A_220] : memref<512x128xf32, #tpu.memory_space<vmem_shared>> -> memref<512x128xf32, #tpu.memory_space<vmem_shared>>
        tpu.enqueue_indirect_dma source(%arg19 : memref<128x128xf32, #tpu.memory_space<vmem>>) target(%dma_start3A_221 : memref<512x128xf32, #tpu.memory_space<vmem_shared>>) offsets(%arg9 : memref<128xi32, #tpu.memory_space<vmem>>) semaphore(%arg26 : memref<!tpu.dma_semaphore, #tpu.memory_space<semaphore_mem>>) {add = true}
      } else {
      }
      %sub3A = arith.constant 2 : i32
      %sub3A_67 = arith.subi %add3A_50, %sub3A : i32
      %mul3A_68 = arith.constant 32 : i32
      %mul3A_69 = arith.muli %sub3A_67, %mul3A_68 : i32
      %add3A_70 = arith.addi %add3A, %mul3A_69 : i32
      %ge3A = arith.constant 0 : i32
      %ge3A_71 = arith.cmpi sge, %sub3A_67, %ge3A : i32
      %lt3A_72 = arith.constant 781 : i32
      %lt3A_73 = arith.cmpi slt, %add3A_70, %lt3A_72 : i32
      %and3A_74 = arith.andi %ge3A_71, %lt3A_73 : i1
      %convert_element_type3A_75 = arith.extui %and3A_74 : i1 to i32
      %cond3A_76 = arith.constant 0 : i32
      %cond3A_77 = arith.cmpi ne, %convert_element_type3A_75, %cond3A_76 : i32
      scf.if %cond3A_77 {
        %dma_wait3A = arith.constant 0 : i32
        %dma_wait3A_217 = arith.constant 0 : i32
        %dma_wait3A_218 = tpu.memref_slice %arg20[%dma_wait3A, %dma_wait3A_217] : memref<512x128xf32, #tpu.memory_space<vmem_shared>> -> memref<512x128xf32, #tpu.memory_space<vmem_shared>>
        tpu.wait_indirect_dma semaphore(%arg28 : memref<!tpu.dma_semaphore, #tpu.memory_space<semaphore_mem>>) src(%arg15 : memref<128x128xf32, #tpu.memory_space<vmem>>) dst(%dma_wait3A_218 : memref<512x128xf32, #tpu.memory_space<vmem_shared>>)
        %dma_wait3A_219 = arith.constant 0 : i32
        %dma_wait3A_220 = arith.constant 0 : i32
        %dma_wait3A_221 = tpu.memref_slice %arg21[%dma_wait3A_219, %dma_wait3A_220] : memref<512x128xf32, #tpu.memory_space<vmem_shared>> -> memref<512x128xf32, #tpu.memory_space<vmem_shared>>
        tpu.wait_indirect_dma semaphore(%arg28 : memref<!tpu.dma_semaphore, #tpu.memory_space<semaphore_mem>>) src(%arg19 : memref<128x128xf32, #tpu.memory_space<vmem>>) dst(%dma_wait3A_221 : memref<512x128xf32, #tpu.memory_space<vmem_shared>>)
      } else {
      }
      %add3A_78 = arith.constant 2 : i32
      %add3A_79 = arith.addi %add3A_50, %add3A_78 : i32
      %mul3A_80 = arith.constant 32 : i32
      %mul3A_81 = arith.muli %add3A_79, %mul3A_80 : i32
      %add3A_82 = arith.addi %add3A, %mul3A_81 : i32
      %lt3A_83 = arith.constant 781 : i32
      %lt3A_84 = arith.cmpi slt, %add3A_82, %lt3A_83 : i32
      %convert_element_type3A_85 = arith.extui %lt3A_84 : i1 to i32
      %cond3A_86 = arith.constant 0 : i32
      %cond3A_87 = arith.cmpi ne, %convert_element_type3A_85, %cond3A_86 : i32
      scf.if %cond3A_87 {
        %mul3A_217 = arith.constant 128 : i32
        %mul3A_218 = arith.muli %add3A_82, %mul3A_217 : i32
        %multiple_of3A = tpu.assume_multiple %mul3A_218, 8 : i32
        %dma_start3A = tpu.memref_slice %arg3[%multiple_of3A] : memref<100000xi32, #tpu.memory_space<hbm>> -> memref<128xi32, #tpu.memory_space<hbm>>
        %dma_start3A_219 = tpu.memref_slice %arg3[%multiple_of3A] : memref<100000xi32, #tpu.memory_space<hbm>> -> memref<128xi32, #tpu.memory_space<hbm>>
        tpu.enqueue_dma source(%dma_start3A_219 : memref<128xi32, #tpu.memory_space<hbm>>) target(%arg11 : memref<128xi32, #tpu.memory_space<vmem>>) target_semaphore(%arg24 : memref<!tpu.dma_semaphore, #tpu.memory_space<semaphore_mem>>)
        %dma_start3A_220 = arith.constant 0 : i32
        %dma_start3A_221 = tpu.memref_slice %arg2[%multiple_of3A, %dma_start3A_220] : memref<100000x128xf32, #tpu.memory_space<hbm>> -> memref<128x128xf32, #tpu.memory_space<hbm>>
        %dma_start3A_222 = arith.constant 0 : i32
        %dma_start3A_223 = tpu.memref_slice %arg2[%multiple_of3A, %dma_start3A_222] : memref<100000x128xf32, #tpu.memory_space<hbm>> -> memref<128x128xf32, #tpu.memory_space<hbm>>
        tpu.enqueue_dma source(%dma_start3A_223 : memref<128x128xf32, #tpu.memory_space<hbm>>) target(%arg15 : memref<128x128xf32, #tpu.memory_space<vmem>>) target_semaphore(%arg24 : memref<!tpu.dma_semaphore, #tpu.memory_space<semaphore_mem>>)
      } else {
      }
      %mul3A_88 = arith.constant 4 : i32
      %mul3A_89 = arith.muli %mul3A_88, %scan3A_46 : i32
      %add3A_90 = arith.constant 1 : i32
      %add3A_91 = arith.addi %mul3A_89, %add3A_90 : i32
      %mul3A_92 = arith.constant 32 : i32
      %mul3A_93 = arith.muli %add3A_91, %mul3A_92 : i32
      %add3A_94 = arith.addi %add3A, %mul3A_93 : i32
      %lt3A_95 = arith.constant 781 : i32
      %lt3A_96 = arith.cmpi slt, %add3A_94, %lt3A_95 : i32
      %convert_element_type3A_97 = arith.extui %lt3A_96 : i1 to i32
      %cond3A_98 = arith.constant 0 : i32
      %cond3A_99 = arith.cmpi ne, %convert_element_type3A_97, %cond3A_98 : i32
      scf.if %cond3A_99 {
        %dma_wait3A = arith.constant 0 : i32
        %dma_wait3A_217 = tpu.memref_slice %arg3[%dma_wait3A] : memref<100000xi32, #tpu.memory_space<hbm>> -> memref<128xi32, #tpu.memory_space<hbm>>
        %dma_wait3A_218 = arith.constant 0 : i32
        %dma_wait3A_219 = tpu.memref_slice %arg3[%dma_wait3A_218] : memref<100000xi32, #tpu.memory_space<hbm>> -> memref<128xi32, #tpu.memory_space<hbm>>
        tpu.wait_dma2 semaphore(%arg23 : memref<!tpu.dma_semaphore, #tpu.memory_space<semaphore_mem>>) src(%dma_wait3A_219 : memref<128xi32, #tpu.memory_space<hbm>>) dst(%arg10 : memref<128xi32, #tpu.memory_space<vmem>>)
        %dma_wait3A_220 = arith.constant 0 : i32
        %dma_wait3A_221 = arith.constant 0 : i32
        %dma_wait3A_222 = tpu.memref_slice %arg2[%dma_wait3A_220, %dma_wait3A_221] : memref<100000x128xf32, #tpu.memory_space<hbm>> -> memref<128x128xf32, #tpu.memory_space<hbm>>
        %dma_wait3A_223 = arith.constant 0 : i32
        %dma_wait3A_224 = arith.constant 0 : i32
        %dma_wait3A_225 = tpu.memref_slice %arg2[%dma_wait3A_223, %dma_wait3A_224] : memref<100000x128xf32, #tpu.memory_space<hbm>> -> memref<128x128xf32, #tpu.memory_space<hbm>>
        tpu.wait_dma2 semaphore(%arg23 : memref<!tpu.dma_semaphore, #tpu.memory_space<semaphore_mem>>) src(%dma_wait3A_225 : memref<128x128xf32, #tpu.memory_space<hbm>>) dst(%arg14 : memref<128x128xf32, #tpu.memory_space<vmem>>)
      } else {
      }
      %mul3A_100 = arith.constant 32 : i32
      %mul3A_101 = arith.muli %add3A_91, %mul3A_100 : i32
      %add3A_102 = arith.addi %add3A, %mul3A_101 : i32
      %lt3A_103 = arith.constant 781 : i32
      %lt3A_104 = arith.cmpi slt, %add3A_102, %lt3A_103 : i32
      %convert_element_type3A_105 = arith.extui %lt3A_104 : i1 to i32
      %cond3A_106 = arith.constant 0 : i32
      %cond3A_107 = arith.cmpi ne, %convert_element_type3A_105, %cond3A_106 : i32
      scf.if %cond3A_107 {
        %dma_start3A = arith.constant 0 : i32
        %dma_start3A_217 = arith.constant 0 : i32
        %dma_start3A_218 = tpu.memref_slice %arg20[%dma_start3A, %dma_start3A_217] : memref<512x128xf32, #tpu.memory_space<vmem_shared>> -> memref<512x128xf32, #tpu.memory_space<vmem_shared>>
        tpu.enqueue_indirect_dma source(%arg14 : memref<128x128xf32, #tpu.memory_space<vmem>>) target(%dma_start3A_218 : memref<512x128xf32, #tpu.memory_space<vmem_shared>>) offsets(%arg10 : memref<128xi32, #tpu.memory_space<vmem>>) semaphore(%arg27 : memref<!tpu.dma_semaphore, #tpu.memory_space<semaphore_mem>>) {add = true}
        %dma_start3A_219 = arith.constant 0 : i32
        %dma_start3A_220 = arith.constant 0 : i32
        %dma_start3A_221 = tpu.memref_slice %arg21[%dma_start3A_219, %dma_start3A_220] : memref<512x128xf32, #tpu.memory_space<vmem_shared>> -> memref<512x128xf32, #tpu.memory_space<vmem_shared>>
        tpu.enqueue_indirect_dma source(%arg19 : memref<128x128xf32, #tpu.memory_space<vmem>>) target(%dma_start3A_221 : memref<512x128xf32, #tpu.memory_space<vmem_shared>>) offsets(%arg10 : memref<128xi32, #tpu.memory_space<vmem>>) semaphore(%arg27 : memref<!tpu.dma_semaphore, #tpu.memory_space<semaphore_mem>>) {add = true}
      } else {
      }
      %sub3A_108 = arith.constant 2 : i32
      %sub3A_109 = arith.subi %add3A_91, %sub3A_108 : i32
      %mul3A_110 = arith.constant 32 : i32
      %mul3A_111 = arith.muli %sub3A_109, %mul3A_110 : i32
      %add3A_112 = arith.addi %add3A, %mul3A_111 : i32
      %ge3A_113 = arith.constant 0 : i32
      %ge3A_114 = arith.cmpi sge, %sub3A_109, %ge3A_113 : i32
      %lt3A_115 = arith.constant 781 : i32
      %lt3A_116 = arith.cmpi slt, %add3A_112, %lt3A_115 : i32
      %and3A_117 = arith.andi %ge3A_114, %lt3A_116 : i1
      %convert_element_type3A_118 = arith.extui %and3A_117 : i1 to i32
      %cond3A_119 = arith.constant 0 : i32
      %cond3A_120 = arith.cmpi ne, %convert_element_type3A_118, %cond3A_119 : i32
      scf.if %cond3A_120 {
        %dma_wait3A = arith.constant 0 : i32
        %dma_wait3A_217 = arith.constant 0 : i32
        %dma_wait3A_218 = tpu.memref_slice %arg20[%dma_wait3A, %dma_wait3A_217] : memref<512x128xf32, #tpu.memory_space<vmem_shared>> -> memref<512x128xf32, #tpu.memory_space<vmem_shared>>
        tpu.wait_indirect_dma semaphore(%arg29 : memref<!tpu.dma_semaphore, #tpu.memory_space<semaphore_mem>>) src(%arg16 : memref<128x128xf32, #tpu.memory_space<vmem>>) dst(%dma_wait3A_218 : memref<512x128xf32, #tpu.memory_space<vmem_shared>>)
        %dma_wait3A_219 = arith.constant 0 : i32
        %dma_wait3A_220 = arith.constant 0 : i32
        %dma_wait3A_221 = tpu.memref_slice %arg21[%dma_wait3A_219, %dma_wait3A_220] : memref<512x128xf32, #tpu.memory_space<vmem_shared>> -> memref<512x128xf32, #tpu.memory_space<vmem_shared>>
        tpu.wait_indirect_dma semaphore(%arg29 : memref<!tpu.dma_semaphore, #tpu.memory_space<semaphore_mem>>) src(%arg19 : memref<128x128xf32, #tpu.memory_space<vmem>>) dst(%dma_wait3A_221 : memref<512x128xf32, #tpu.memory_space<vmem_shared>>)
      } else {
      }
      %add3A_121 = arith.constant 2 : i32
      %add3A_122 = arith.addi %add3A_91, %add3A_121 : i32
      %mul3A_123 = arith.constant 32 : i32
      %mul3A_124 = arith.muli %add3A_122, %mul3A_123 : i32
      %add3A_125 = arith.addi %add3A, %mul3A_124 : i32
      %lt3A_126 = arith.constant 781 : i32
      %lt3A_127 = arith.cmpi slt, %add3A_125, %lt3A_126 : i32
      %convert_element_type3A_128 = arith.extui %lt3A_127 : i1 to i32
      %cond3A_129 = arith.constant 0 : i32
      %cond3A_130 = arith.cmpi ne, %convert_element_type3A_128, %cond3A_129 : i32
      scf.if %cond3A_130 {
        %mul3A_217 = arith.constant 128 : i32
        %mul3A_218 = arith.muli %add3A_125, %mul3A_217 : i32
        %multiple_of3A = tpu.assume_multiple %mul3A_218, 8 : i32
        %dma_start3A = tpu.memref_slice %arg3[%multiple_of3A] : memref<100000xi32, #tpu.memory_space<hbm>> -> memref<128xi32, #tpu.memory_space<hbm>>
        %dma_start3A_219 = tpu.memref_slice %arg3[%multiple_of3A] : memref<100000xi32, #tpu.memory_space<hbm>> -> memref<128xi32, #tpu.memory_space<hbm>>
        tpu.enqueue_dma source(%dma_start3A_219 : memref<128xi32, #tpu.memory_space<hbm>>) target(%arg12 : memref<128xi32, #tpu.memory_space<vmem>>) target_semaphore(%arg25 : memref<!tpu.dma_semaphore, #tpu.memory_space<semaphore_mem>>)
        %dma_start3A_220 = arith.constant 0 : i32
        %dma_start3A_221 = tpu.memref_slice %arg2[%multiple_of3A, %dma_start3A_220] : memref<100000x128xf32, #tpu.memory_space<hbm>> -> memref<128x128xf32, #tpu.memory_space<hbm>>
        %dma_start3A_222 = arith.constant 0 : i32
        %dma_start3A_223 = tpu.memref_slice %arg2[%multiple_of3A, %dma_start3A_222] : memref<100000x128xf32, #tpu.memory_space<hbm>> -> memref<128x128xf32, #tpu.memory_space<hbm>>
        tpu.enqueue_dma source(%dma_start3A_223 : memref<128x128xf32, #tpu.memory_space<hbm>>) target(%arg16 : memref<128x128xf32, #tpu.memory_space<vmem>>) target_semaphore(%arg25 : memref<!tpu.dma_semaphore, #tpu.memory_space<semaphore_mem>>)
      } else {
      }
      %mul3A_131 = arith.constant 4 : i32
      %mul3A_132 = arith.muli %mul3A_131, %scan3A_46 : i32
      %add3A_133 = arith.constant 2 : i32
      %add3A_134 = arith.addi %mul3A_132, %add3A_133 : i32
      %mul3A_135 = arith.constant 32 : i32
      %mul3A_136 = arith.muli %add3A_134, %mul3A_135 : i32
      %add3A_137 = arith.addi %add3A, %mul3A_136 : i32
      %lt3A_138 = arith.constant 781 : i32
      %lt3A_139 = arith.cmpi slt, %add3A_137, %lt3A_138 : i32
      %convert_element_type3A_140 = arith.extui %lt3A_139 : i1 to i32
      %cond3A_141 = arith.constant 0 : i32
      %cond3A_142 = arith.cmpi ne, %convert_element_type3A_140, %cond3A_141 : i32
      scf.if %cond3A_142 {
        %dma_wait3A = arith.constant 0 : i32
        %dma_wait3A_217 = tpu.memref_slice %arg3[%dma_wait3A] : memref<100000xi32, #tpu.memory_space<hbm>> -> memref<128xi32, #tpu.memory_space<hbm>>
        %dma_wait3A_218 = arith.constant 0 : i32
        %dma_wait3A_219 = tpu.memref_slice %arg3[%dma_wait3A_218] : memref<100000xi32, #tpu.memory_space<hbm>> -> memref<128xi32, #tpu.memory_space<hbm>>
        tpu.wait_dma2 semaphore(%arg24 : memref<!tpu.dma_semaphore, #tpu.memory_space<semaphore_mem>>) src(%dma_wait3A_219 : memref<128xi32, #tpu.memory_space<hbm>>) dst(%arg11 : memref<128xi32, #tpu.memory_space<vmem>>)
        %dma_wait3A_220 = arith.constant 0 : i32
        %dma_wait3A_221 = arith.constant 0 : i32
        %dma_wait3A_222 = tpu.memref_slice %arg2[%dma_wait3A_220, %dma_wait3A_221] : memref<100000x128xf32, #tpu.memory_space<hbm>> -> memref<128x128xf32, #tpu.memory_space<hbm>>
        %dma_wait3A_223 = arith.constant 0 : i32
        %dma_wait3A_224 = arith.constant 0 : i32
        %dma_wait3A_225 = tpu.memref_slice %arg2[%dma_wait3A_223, %dma_wait3A_224] : memref<100000x128xf32, #tpu.memory_space<hbm>> -> memref<128x128xf32, #tpu.memory_space<hbm>>
        tpu.wait_dma2 semaphore(%arg24 : memref<!tpu.dma_semaphore, #tpu.memory_space<semaphore_mem>>) src(%dma_wait3A_225 : memref<128x128xf32, #tpu.memory_space<hbm>>) dst(%arg15 : memref<128x128xf32, #tpu.memory_space<vmem>>)
      } else {
      }
      %mul3A_143 = arith.constant 32 : i32
      %mul3A_144 = arith.muli %add3A_134, %mul3A_143 : i32
      %add3A_145 = arith.addi %add3A, %mul3A_144 : i32
      %lt3A_146 = arith.constant 781 : i32
      %lt3A_147 = arith.cmpi slt, %add3A_145, %lt3A_146 : i32
      %convert_element_type3A_148 = arith.extui %lt3A_147 : i1 to i32
      %cond3A_149 = arith.constant 0 : i32
      %cond3A_150 = arith.cmpi ne, %convert_element_type3A_148, %cond3A_149 : i32
      scf.if %cond3A_150 {
        %dma_start3A = arith.constant 0 : i32
        %dma_start3A_217 = arith.constant 0 : i32
        %dma_start3A_218 = tpu.memref_slice %arg20[%dma_start3A, %dma_start3A_217] : memref<512x128xf32, #tpu.memory_space<vmem_shared>> -> memref<512x128xf32, #tpu.memory_space<vmem_shared>>
        tpu.enqueue_indirect_dma source(%arg15 : memref<128x128xf32, #tpu.memory_space<vmem>>) target(%dma_start3A_218 : memref<512x128xf32, #tpu.memory_space<vmem_shared>>) offsets(%arg11 : memref<128xi32, #tpu.memory_space<vmem>>) semaphore(%arg28 : memref<!tpu.dma_semaphore, #tpu.memory_space<semaphore_mem>>) {add = true}
        %dma_start3A_219 = arith.constant 0 : i32
        %dma_start3A_220 = arith.constant 0 : i32
        %dma_start3A_221 = tpu.memref_slice %arg21[%dma_start3A_219, %dma_start3A_220] : memref<512x128xf32, #tpu.memory_space<vmem_shared>> -> memref<512x128xf32, #tpu.memory_space<vmem_shared>>
        tpu.enqueue_indirect_dma source(%arg19 : memref<128x128xf32, #tpu.memory_space<vmem>>) target(%dma_start3A_221 : memref<512x128xf32, #tpu.memory_space<vmem_shared>>) offsets(%arg11 : memref<128xi32, #tpu.memory_space<vmem>>) semaphore(%arg28 : memref<!tpu.dma_semaphore, #tpu.memory_space<semaphore_mem>>) {add = true}
      } else {
      }
      %sub3A_151 = arith.constant 2 : i32
      %sub3A_152 = arith.subi %add3A_134, %sub3A_151 : i32
      %mul3A_153 = arith.constant 32 : i32
      %mul3A_154 = arith.muli %sub3A_152, %mul3A_153 : i32
      %add3A_155 = arith.addi %add3A, %mul3A_154 : i32
      %ge3A_156 = arith.constant 0 : i32
      %ge3A_157 = arith.cmpi sge, %sub3A_152, %ge3A_156 : i32
      %lt3A_158 = arith.constant 781 : i32
      %lt3A_159 = arith.cmpi slt, %add3A_155, %lt3A_158 : i32
      %and3A_160 = arith.andi %ge3A_157, %lt3A_159 : i1
      %convert_element_type3A_161 = arith.extui %and3A_160 : i1 to i32
      %cond3A_162 = arith.constant 0 : i32
      %cond3A_163 = arith.cmpi ne, %convert_element_type3A_161, %cond3A_162 : i32
      scf.if %cond3A_163 {
        %dma_wait3A = arith.constant 0 : i32
        %dma_wait3A_217 = arith.constant 0 : i32
        %dma_wait3A_218 = tpu.memref_slice %arg20[%dma_wait3A, %dma_wait3A_217] : memref<512x128xf32, #tpu.memory_space<vmem_shared>> -> memref<512x128xf32, #tpu.memory_space<vmem_shared>>
        tpu.wait_indirect_dma semaphore(%arg26 : memref<!tpu.dma_semaphore, #tpu.memory_space<semaphore_mem>>) src(%arg13 : memref<128x128xf32, #tpu.memory_space<vmem>>) dst(%dma_wait3A_218 : memref<512x128xf32, #tpu.memory_space<vmem_shared>>)
        %dma_wait3A_219 = arith.constant 0 : i32
        %dma_wait3A_220 = arith.constant 0 : i32
        %dma_wait3A_221 = tpu.memref_slice %arg21[%dma_wait3A_219, %dma_wait3A_220] : memref<512x128xf32, #tpu.memory_space<vmem_shared>> -> memref<512x128xf32, #tpu.memory_space<vmem_shared>>
        tpu.wait_indirect_dma semaphore(%arg26 : memref<!tpu.dma_semaphore, #tpu.memory_space<semaphore_mem>>) src(%arg19 : memref<128x128xf32, #tpu.memory_space<vmem>>) dst(%dma_wait3A_221 : memref<512x128xf32, #tpu.memory_space<vmem_shared>>)
      } else {
      }
      %add3A_164 = arith.constant 2 : i32
      %add3A_165 = arith.addi %add3A_134, %add3A_164 : i32
      %mul3A_166 = arith.constant 32 : i32
      %mul3A_167 = arith.muli %add3A_165, %mul3A_166 : i32
      %add3A_168 = arith.addi %add3A, %mul3A_167 : i32
      %lt3A_169 = arith.constant 781 : i32
      %lt3A_170 = arith.cmpi slt, %add3A_168, %lt3A_169 : i32
      %convert_element_type3A_171 = arith.extui %lt3A_170 : i1 to i32
      %cond3A_172 = arith.constant 0 : i32
      %cond3A_173 = arith.cmpi ne, %convert_element_type3A_171, %cond3A_172 : i32
      scf.if %cond3A_173 {
        %mul3A_217 = arith.constant 128 : i32
        %mul3A_218 = arith.muli %add3A_168, %mul3A_217 : i32
        %multiple_of3A = tpu.assume_multiple %mul3A_218, 8 : i32
        %dma_start3A = tpu.memref_slice %arg3[%multiple_of3A] : memref<100000xi32, #tpu.memory_space<hbm>> -> memref<128xi32, #tpu.memory_space<hbm>>
        %dma_start3A_219 = tpu.memref_slice %arg3[%multiple_of3A] : memref<100000xi32, #tpu.memory_space<hbm>> -> memref<128xi32, #tpu.memory_space<hbm>>
        tpu.enqueue_dma source(%dma_start3A_219 : memref<128xi32, #tpu.memory_space<hbm>>) target(%arg9 : memref<128xi32, #tpu.memory_space<vmem>>) target_semaphore(%arg22 : memref<!tpu.dma_semaphore, #tpu.memory_space<semaphore_mem>>)
        %dma_start3A_220 = arith.constant 0 : i32
        %dma_start3A_221 = tpu.memref_slice %arg2[%multiple_of3A, %dma_start3A_220] : memref<100000x128xf32, #tpu.memory_space<hbm>> -> memref<128x128xf32, #tpu.memory_space<hbm>>
        %dma_start3A_222 = arith.constant 0 : i32
        %dma_start3A_223 = tpu.memref_slice %arg2[%multiple_of3A, %dma_start3A_222] : memref<100000x128xf32, #tpu.memory_space<hbm>> -> memref<128x128xf32, #tpu.memory_space<hbm>>
        tpu.enqueue_dma source(%dma_start3A_223 : memref<128x128xf32, #tpu.memory_space<hbm>>) target(%arg13 : memref<128x128xf32, #tpu.memory_space<vmem>>) target_semaphore(%arg22 : memref<!tpu.dma_semaphore, #tpu.memory_space<semaphore_mem>>)
      } else {
      }
      %mul3A_174 = arith.constant 4 : i32
      %mul3A_175 = arith.muli %mul3A_174, %scan3A_46 : i32
      %add3A_176 = arith.constant 3 : i32
      %add3A_177 = arith.addi %mul3A_175, %add3A_176 : i32
      %mul3A_178 = arith.constant 32 : i32
      %mul3A_179 = arith.muli %add3A_177, %mul3A_178 : i32
      %add3A_180 = arith.addi %add3A, %mul3A_179 : i32
      %lt3A_181 = arith.constant 781 : i32
      %lt3A_182 = arith.cmpi slt, %add3A_180, %lt3A_181 : i32
      %convert_element_type3A_183 = arith.extui %lt3A_182 : i1 to i32
      %cond3A_184 = arith.constant 0 : i32
      %cond3A_185 = arith.cmpi ne, %convert_element_type3A_183, %cond3A_184 : i32
      scf.if %cond3A_185 {
        %dma_wait3A = arith.constant 0 : i32
        %dma_wait3A_217 = tpu.memref_slice %arg3[%dma_wait3A] : memref<100000xi32, #tpu.memory_space<hbm>> -> memref<128xi32, #tpu.memory_space<hbm>>
        %dma_wait3A_218 = arith.constant 0 : i32
        %dma_wait3A_219 = tpu.memref_slice %arg3[%dma_wait3A_218] : memref<100000xi32, #tpu.memory_space<hbm>> -> memref<128xi32, #tpu.memory_space<hbm>>
        tpu.wait_dma2 semaphore(%arg25 : memref<!tpu.dma_semaphore, #tpu.memory_space<semaphore_mem>>) src(%dma_wait3A_219 : memref<128xi32, #tpu.memory_space<hbm>>) dst(%arg12 : memref<128xi32, #tpu.memory_space<vmem>>)
        %dma_wait3A_220 = arith.constant 0 : i32
        %dma_wait3A_221 = arith.constant 0 : i32
        %dma_wait3A_222 = tpu.memref_slice %arg2[%dma_wait3A_220, %dma_wait3A_221] : memref<100000x128xf32, #tpu.memory_space<hbm>> -> memref<128x128xf32, #tpu.memory_space<hbm>>
        %dma_wait3A_223 = arith.constant 0 : i32
        %dma_wait3A_224 = arith.constant 0 : i32
        %dma_wait3A_225 = tpu.memref_slice %arg2[%dma_wait3A_223, %dma_wait3A_224] : memref<100000x128xf32, #tpu.memory_space<hbm>> -> memref<128x128xf32, #tpu.memory_space<hbm>>
        tpu.wait_dma2 semaphore(%arg25 : memref<!tpu.dma_semaphore, #tpu.memory_space<semaphore_mem>>) src(%dma_wait3A_225 : memref<128x128xf32, #tpu.memory_space<hbm>>) dst(%arg16 : memref<128x128xf32, #tpu.memory_space<vmem>>)
      } else {
      }
      %mul3A_186 = arith.constant 32 : i32
      %mul3A_187 = arith.muli %add3A_177, %mul3A_186 : i32
      %add3A_188 = arith.addi %add3A, %mul3A_187 : i32
      %lt3A_189 = arith.constant 781 : i32
      %lt3A_190 = arith.cmpi slt, %add3A_188, %lt3A_189 : i32
      %convert_element_type3A_191 = arith.extui %lt3A_190 : i1 to i32
      %cond3A_192 = arith.constant 0 : i32
      %cond3A_193 = arith.cmpi ne, %convert_element_type3A_191, %cond3A_192 : i32
      scf.if %cond3A_193 {
        %dma_start3A = arith.constant 0 : i32
        %dma_start3A_217 = arith.constant 0 : i32
        %dma_start3A_218 = tpu.memref_slice %arg20[%dma_start3A, %dma_start3A_217] : memref<512x128xf32, #tpu.memory_space<vmem_shared>> -> memref<512x128xf32, #tpu.memory_space<vmem_shared>>
        tpu.enqueue_indirect_dma source(%arg16 : memref<128x128xf32, #tpu.memory_space<vmem>>) target(%dma_start3A_218 : memref<512x128xf32, #tpu.memory_space<vmem_shared>>) offsets(%arg12 : memref<128xi32, #tpu.memory_space<vmem>>) semaphore(%arg29 : memref<!tpu.dma_semaphore, #tpu.memory_space<semaphore_mem>>) {add = true}
        %dma_start3A_219 = arith.constant 0 : i32
        %dma_start3A_220 = arith.constant 0 : i32
        %dma_start3A_221 = tpu.memref_slice %arg21[%dma_start3A_219, %dma_start3A_220] : memref<512x128xf32, #tpu.memory_space<vmem_shared>> -> memref<512x128xf32, #tpu.memory_space<vmem_shared>>
        tpu.enqueue_indirect_dma source(%arg19 : memref<128x128xf32, #tpu.memory_space<vmem>>) target(%dma_start3A_221 : memref<512x128xf32, #tpu.memory_space<vmem_shared>>) offsets(%arg12 : memref<128xi32, #tpu.memory_space<vmem>>) semaphore(%arg29 : memref<!tpu.dma_semaphore, #tpu.memory_space<semaphore_mem>>) {add = true}
      } else {
      }
      %sub3A_194 = arith.constant 2 : i32
      %sub3A_195 = arith.subi %add3A_177, %sub3A_194 : i32
      %mul3A_196 = arith.constant 32 : i32
      %mul3A_197 = arith.muli %sub3A_195, %mul3A_196 : i32
      %add3A_198 = arith.addi %add3A, %mul3A_197 : i32
      %ge3A_199 = arith.constant 0 : i32
      %ge3A_200 = arith.cmpi sge, %sub3A_195, %ge3A_199 : i32
      %lt3A_201 = arith.constant 781 : i32
      %lt3A_202 = arith.cmpi slt, %add3A_198, %lt3A_201 : i32
      %and3A_203 = arith.andi %ge3A_200, %lt3A_202 : i1
      %convert_element_type3A_204 = arith.extui %and3A_203 : i1 to i32
      %cond3A_205 = arith.constant 0 : i32
      %cond3A_206 = arith.cmpi ne, %convert_element_type3A_204, %cond3A_205 : i32
      scf.if %cond3A_206 {
        %dma_wait3A = arith.constant 0 : i32
        %dma_wait3A_217 = arith.constant 0 : i32
        %dma_wait3A_218 = tpu.memref_slice %arg20[%dma_wait3A, %dma_wait3A_217] : memref<512x128xf32, #tpu.memory_space<vmem_shared>> -> memref<512x128xf32, #tpu.memory_space<vmem_shared>>
        tpu.wait_indirect_dma semaphore(%arg27 : memref<!tpu.dma_semaphore, #tpu.memory_space<semaphore_mem>>) src(%arg14 : memref<128x128xf32, #tpu.memory_space<vmem>>) dst(%dma_wait3A_218 : memref<512x128xf32, #tpu.memory_space<vmem_shared>>)
        %dma_wait3A_219 = arith.constant 0 : i32
        %dma_wait3A_220 = arith.constant 0 : i32
        %dma_wait3A_221 = tpu.memref_slice %arg21[%dma_wait3A_219, %dma_wait3A_220] : memref<512x128xf32, #tpu.memory_space<vmem_shared>> -> memref<512x128xf32, #tpu.memory_space<vmem_shared>>
        tpu.wait_indirect_dma semaphore(%arg27 : memref<!tpu.dma_semaphore, #tpu.memory_space<semaphore_mem>>) src(%arg19 : memref<128x128xf32, #tpu.memory_space<vmem>>) dst(%dma_wait3A_221 : memref<512x128xf32, #tpu.memory_space<vmem_shared>>)
      } else {
      }
      %add3A_207 = arith.constant 2 : i32
      %add3A_208 = arith.addi %add3A_177, %add3A_207 : i32
      %mul3A_209 = arith.constant 32 : i32
      %mul3A_210 = arith.muli %add3A_208, %mul3A_209 : i32
      %add3A_211 = arith.addi %add3A, %mul3A_210 : i32
      %lt3A_212 = arith.constant 781 : i32
      %lt3A_213 = arith.cmpi slt, %add3A_211, %lt3A_212 : i32
      %convert_element_type3A_214 = arith.extui %lt3A_213 : i1 to i32
      %cond3A_215 = arith.constant 0 : i32
      %cond3A_216 = arith.cmpi ne, %convert_element_type3A_214, %cond3A_215 : i32
      scf.if %cond3A_216 {
        %mul3A_217 = arith.constant 128 : i32
        %mul3A_218 = arith.muli %add3A_211, %mul3A_217 : i32
        %multiple_of3A = tpu.assume_multiple %mul3A_218, 8 : i32
        %dma_start3A = tpu.memref_slice %arg3[%multiple_of3A] : memref<100000xi32, #tpu.memory_space<hbm>> -> memref<128xi32, #tpu.memory_space<hbm>>
        %dma_start3A_219 = tpu.memref_slice %arg3[%multiple_of3A] : memref<100000xi32, #tpu.memory_space<hbm>> -> memref<128xi32, #tpu.memory_space<hbm>>
        tpu.enqueue_dma source(%dma_start3A_219 : memref<128xi32, #tpu.memory_space<hbm>>) target(%arg10 : memref<128xi32, #tpu.memory_space<vmem>>) target_semaphore(%arg23 : memref<!tpu.dma_semaphore, #tpu.memory_space<semaphore_mem>>)
        %dma_start3A_220 = arith.constant 0 : i32
        %dma_start3A_221 = tpu.memref_slice %arg2[%multiple_of3A, %dma_start3A_220] : memref<100000x128xf32, #tpu.memory_space<hbm>> -> memref<128x128xf32, #tpu.memory_space<hbm>>
        %dma_start3A_222 = arith.constant 0 : i32
        %dma_start3A_223 = tpu.memref_slice %arg2[%multiple_of3A, %dma_start3A_222] : memref<100000x128xf32, #tpu.memory_space<hbm>> -> memref<128x128xf32, #tpu.memory_space<hbm>>
        tpu.enqueue_dma source(%dma_start3A_223 : memref<128x128xf32, #tpu.memory_space<hbm>>) target(%arg14 : memref<128x128xf32, #tpu.memory_space<vmem>>) target_semaphore(%arg23 : memref<!tpu.dma_semaphore, #tpu.memory_space<semaphore_mem>>)
      } else {
      }
    }
    %scan3A_20 = arith.constant 7 : i32
    %add3A_21 = arith.constant 832 : i32
    %add3A_22 = arith.addi %add3A, %add3A_21 : i32
    %lt3A_23 = arith.constant 781 : i32
    %lt3A_24 = arith.cmpi slt, %add3A_22, %lt3A_23 : i32
    %and3A = arith.constant true
    %and3A_25 = arith.andi %and3A, %lt3A_24 : i1
    %convert_element_type3A_26 = arith.extui %and3A_25 : i1 to i32
    %cond3A_27 = arith.constant 0 : i32
    %cond3A_28 = arith.cmpi ne, %convert_element_type3A_26, %cond3A_27 : i32
    scf.if %cond3A_28 {
      %dma_wait3A = arith.constant 0 : i32
      %dma_wait3A_46 = arith.constant 0 : i32
      %dma_wait3A_47 = tpu.memref_slice %arg20[%dma_wait3A, %dma_wait3A_46] : memref<512x128xf32, #tpu.memory_space<vmem_shared>> -> memref<512x128xf32, #tpu.memory_space<vmem_shared>>
      tpu.wait_indirect_dma semaphore(%arg28 : memref<!tpu.dma_semaphore, #tpu.memory_space<semaphore_mem>>) src(%arg15 : memref<128x128xf32, #tpu.memory_space<vmem>>) dst(%dma_wait3A_47 : memref<512x128xf32, #tpu.memory_space<vmem_shared>>)
      %dma_wait3A_48 = arith.constant 0 : i32
      %dma_wait3A_49 = arith.constant 0 : i32
      %dma_wait3A_50 = tpu.memref_slice %arg21[%dma_wait3A_48, %dma_wait3A_49] : memref<512x128xf32, #tpu.memory_space<vmem_shared>> -> memref<512x128xf32, #tpu.memory_space<vmem_shared>>
      tpu.wait_indirect_dma semaphore(%arg28 : memref<!tpu.dma_semaphore, #tpu.memory_space<semaphore_mem>>) src(%arg19 : memref<128x128xf32, #tpu.memory_space<vmem>>) dst(%dma_wait3A_50 : memref<512x128xf32, #tpu.memory_space<vmem_shared>>)
    } else {
    }
    %add3A_29 = arith.constant 864 : i32
    %add3A_30 = arith.addi %add3A, %add3A_29 : i32
    %lt3A_31 = arith.constant 781 : i32
    %lt3A_32 = arith.cmpi slt, %add3A_30, %lt3A_31 : i32
    %and3A_33 = arith.constant true
    %and3A_34 = arith.andi %and3A_33, %lt3A_32 : i1
    %convert_element_type3A_35 = arith.extui %and3A_34 : i1 to i32
    %cond3A_36 = arith.constant 0 : i32
    %cond3A_37 = arith.cmpi ne, %convert_element_type3A_35, %cond3A_36 : i32
    scf.if %cond3A_37 {
      %dma_wait3A = arith.constant 0 : i32
      %dma_wait3A_46 = arith.constant 0 : i32
      %dma_wait3A_47 = tpu.memref_slice %arg20[%dma_wait3A, %dma_wait3A_46] : memref<512x128xf32, #tpu.memory_space<vmem_shared>> -> memref<512x128xf32, #tpu.memory_space<vmem_shared>>
      tpu.wait_indirect_dma semaphore(%arg29 : memref<!tpu.dma_semaphore, #tpu.memory_space<semaphore_mem>>) src(%arg16 : memref<128x128xf32, #tpu.memory_space<vmem>>) dst(%dma_wait3A_47 : memref<512x128xf32, #tpu.memory_space<vmem_shared>>)
      %dma_wait3A_48 = arith.constant 0 : i32
      %dma_wait3A_49 = arith.constant 0 : i32
      %dma_wait3A_50 = tpu.memref_slice %arg21[%dma_wait3A_48, %dma_wait3A_49] : memref<512x128xf32, #tpu.memory_space<vmem_shared>> -> memref<512x128xf32, #tpu.memory_space<vmem_shared>>
      tpu.wait_indirect_dma semaphore(%arg29 : memref<!tpu.dma_semaphore, #tpu.memory_space<semaphore_mem>>) src(%arg19 : memref<128x128xf32, #tpu.memory_space<vmem>>) dst(%dma_wait3A_50 : memref<512x128xf32, #tpu.memory_space<vmem_shared>>)
    } else {
    }
    %eq3A_38 = arith.constant 13 : i32
    %eq3A_39 = arith.cmpi eq, %add3A, %eq3A_38 : i32
    %convert_element_type3A_40 = arith.extui %eq3A_39 : i1 to i32
    %cond3A_41 = arith.constant 0 : i32
    %cond3A_42 = arith.cmpi ne, %convert_element_type3A_40, %cond3A_41 : i32
    scf.if %cond3A_42 {
      "tpu.region"() ({
        %run_scoped3A = tpu.sem_alloc : memref<!tpu.dma_semaphore, #tpu.memory_space<semaphore_mem>>
        %dma_start3A = arith.constant 99968 : i32
        %dma_start3A_46 = tpu.memref_slice %arg3[%dma_start3A] : memref<100000xi32, #tpu.memory_space<hbm>> -> memref<32xi32, #tpu.memory_space<hbm>>
        %dma_start3A_47 = arith.constant 99968 : i32
        %dma_start3A_48 = tpu.memref_slice %arg3[%dma_start3A_47] : memref<100000xi32, #tpu.memory_space<hbm>> -> memref<32xi32, #tpu.memory_space<hbm>>
        tpu.enqueue_dma source(%dma_start3A_48 : memref<32xi32, #tpu.memory_space<hbm>>) target(%arg17 : memref<32xi32, #tpu.memory_space<vmem>>) target_semaphore(%run_scoped3A : memref<!tpu.dma_semaphore, #tpu.memory_space<semaphore_mem>>)
        %dma_wait3A = arith.constant 99968 : i32
        %dma_wait3A_49 = tpu.memref_slice %arg3[%dma_wait3A] : memref<100000xi32, #tpu.memory_space<hbm>> -> memref<32xi32, #tpu.memory_space<hbm>>
        %dma_wait3A_50 = arith.constant 99968 : i32
        %dma_wait3A_51 = tpu.memref_slice %arg3[%dma_wait3A_50] : memref<100000xi32, #tpu.memory_space<hbm>> -> memref<32xi32, #tpu.memory_space<hbm>>
        tpu.wait_dma2 semaphore(%run_scoped3A : memref<!tpu.dma_semaphore, #tpu.memory_space<semaphore_mem>>) src(%dma_wait3A_51 : memref<32xi32, #tpu.memory_space<hbm>>) dst(%arg17 : memref<32xi32, #tpu.memory_space<vmem>>)
        tpu.yield
      }) : () -> ()
      "tpu.region"() ({
        %run_scoped3A = tpu.sem_alloc : memref<!tpu.dma_semaphore, #tpu.memory_space<semaphore_mem>>
        %dma_start3A = arith.constant 99968 : i32
        %dma_start3A_46 = arith.constant 0 : i32
        %dma_start3A_47 = tpu.memref_slice %arg2[%dma_start3A, %dma_start3A_46] : memref<100000x128xf32, #tpu.memory_space<hbm>> -> memref<32x128xf32, #tpu.memory_space<hbm>>
        %dma_start3A_48 = arith.constant 99968 : i32
        %dma_start3A_49 = arith.constant 0 : i32
        %dma_start3A_50 = tpu.memref_slice %arg2[%dma_start3A_48, %dma_start3A_49] : memref<100000x128xf32, #tpu.memory_space<hbm>> -> memref<32x128xf32, #tpu.memory_space<hbm>>
        tpu.enqueue_dma source(%dma_start3A_50 : memref<32x128xf32, #tpu.memory_space<hbm>>) target(%arg18 : memref<32x128xf32, #tpu.memory_space<vmem>>) target_semaphore(%run_scoped3A : memref<!tpu.dma_semaphore, #tpu.memory_space<semaphore_mem>>)
        %dma_wait3A = arith.constant 99968 : i32
        %dma_wait3A_51 = arith.constant 0 : i32
        %dma_wait3A_52 = tpu.memref_slice %arg2[%dma_wait3A, %dma_wait3A_51] : memref<100000x128xf32, #tpu.memory_space<hbm>> -> memref<32x128xf32, #tpu.memory_space<hbm>>
        %dma_wait3A_53 = arith.constant 99968 : i32
        %dma_wait3A_54 = arith.constant 0 : i32
        %dma_wait3A_55 = tpu.memref_slice %arg2[%dma_wait3A_53, %dma_wait3A_54] : memref<100000x128xf32, #tpu.memory_space<hbm>> -> memref<32x128xf32, #tpu.memory_space<hbm>>
        tpu.wait_dma2 semaphore(%run_scoped3A : memref<!tpu.dma_semaphore, #tpu.memory_space<semaphore_mem>>) src(%dma_wait3A_55 : memref<32x128xf32, #tpu.memory_space<hbm>>) dst(%arg18 : memref<32x128xf32, #tpu.memory_space<vmem>>)
        tpu.yield
      }) : () -> ()
      "tpu.region"() ({
        %run_scoped3A = tpu.sem_alloc : memref<!tpu.dma_semaphore, #tpu.memory_space<semaphore_mem>>
        %dma_start3A = arith.constant 0 : i32
        %dma_start3A_46 = arith.constant 0 : i32
        %dma_start3A_47 = tpu.memref_slice %arg20[%dma_start3A, %dma_start3A_46] : memref<512x128xf32, #tpu.memory_space<vmem_shared>> -> memref<512x128xf32, #tpu.memory_space<vmem_shared>>
        tpu.enqueue_indirect_dma source(%arg18 : memref<32x128xf32, #tpu.memory_space<vmem>>) target(%dma_start3A_47 : memref<512x128xf32, #tpu.memory_space<vmem_shared>>) offsets(%arg17 : memref<32xi32, #tpu.memory_space<vmem>>) semaphore(%run_scoped3A : memref<!tpu.dma_semaphore, #tpu.memory_space<semaphore_mem>>) {add = true}
        %dma_wait3A = arith.constant 0 : i32
        %dma_wait3A_48 = arith.constant 0 : i32
        %dma_wait3A_49 = tpu.memref_slice %arg20[%dma_wait3A, %dma_wait3A_48] : memref<512x128xf32, #tpu.memory_space<vmem_shared>> -> memref<512x128xf32, #tpu.memory_space<vmem_shared>>
        tpu.wait_indirect_dma semaphore(%run_scoped3A : memref<!tpu.dma_semaphore, #tpu.memory_space<semaphore_mem>>) src(%arg18 : memref<32x128xf32, #tpu.memory_space<vmem>>) dst(%dma_wait3A_49 : memref<512x128xf32, #tpu.memory_space<vmem_shared>>)
        tpu.yield
      }) : () -> ()
      "tpu.region"() ({
        %run_scoped3A = tpu.sem_alloc : memref<!tpu.dma_semaphore, #tpu.memory_space<semaphore_mem>>
        %dma_start3A = arith.constant 0 : i32
        %dma_start3A_46 = arith.constant 0 : i32
        %dma_start3A_47 = tpu.memref_slice %arg19[%dma_start3A, %dma_start3A_46] : memref<128x128xf32, #tpu.memory_space<vmem>> -> memref<32x128xf32, #tpu.memory_space<vmem>>
        %dma_start3A_48 = arith.constant 0 : i32
        %dma_start3A_49 = arith.constant 0 : i32
        %dma_start3A_50 = tpu.memref_slice %arg21[%dma_start3A_48, %dma_start3A_49] : memref<512x128xf32, #tpu.memory_space<vmem_shared>> -> memref<512x128xf32, #tpu.memory_space<vmem_shared>>
        tpu.enqueue_indirect_dma source(%dma_start3A_47 : memref<32x128xf32, #tpu.memory_space<vmem>>) target(%dma_start3A_50 : memref<512x128xf32, #tpu.memory_space<vmem_shared>>) offsets(%arg17 : memref<32xi32, #tpu.memory_space<vmem>>) semaphore(%run_scoped3A : memref<!tpu.dma_semaphore, #tpu.memory_space<semaphore_mem>>) {add = true}
        %dma_wait3A = arith.constant 0 : i32
        %dma_wait3A_51 = arith.constant 0 : i32
        %dma_wait3A_52 = tpu.memref_slice %arg19[%dma_wait3A, %dma_wait3A_51] : memref<128x128xf32, #tpu.memory_space<vmem>> -> memref<32x128xf32, #tpu.memory_space<vmem>>
        %dma_wait3A_53 = arith.constant 0 : i32
        %dma_wait3A_54 = arith.constant 0 : i32
        %dma_wait3A_55 = tpu.memref_slice %arg21[%dma_wait3A_53, %dma_wait3A_54] : memref<512x128xf32, #tpu.memory_space<vmem_shared>> -> memref<512x128xf32, #tpu.memory_space<vmem_shared>>
        tpu.wait_indirect_dma semaphore(%run_scoped3A : memref<!tpu.dma_semaphore, #tpu.memory_space<semaphore_mem>>) src(%dma_wait3A_52 : memref<32x128xf32, #tpu.memory_space<vmem>>) dst(%dma_wait3A_55 : memref<512x128xf32, #tpu.memory_space<vmem_shared>>)
        tpu.yield
      }) : () -> ()
    } else {
    }
    %barrier3A_43 = arith.constant 0 : index
    tpu.barrier barrier_id(%barrier3A_43)
    %mul3A_44 = arith.constant 32 : i32
    %mul3A_45 = arith.muli %arg1, %mul3A_44 : i32
    "tpu.region"() ({
      %run_scoped3A = tpu.sem_alloc : memref<!tpu.dma_semaphore, #tpu.memory_space<semaphore_mem>>
      %dma_start3A = arith.constant 0 : i32
      %dma_start3A_46 = tpu.memref_slice %arg7[%arg0, %mul3A_45, %dma_start3A] : memref<2x512x128xf32, #tpu.memory_space<hbm>> -> memref<1x32x128xf32, #tpu.memory_space<hbm>>
      %dma_start3A_47 = tpu.memref_squeeze %dma_start3A_46 : memref<1x32x128xf32, #tpu.memory_space<hbm>> -> memref<32x128xf32, #tpu.memory_space<hbm>>
      %dma_start3A_48 = arith.constant 0 : i32
      %dma_start3A_49 = tpu.memref_slice %arg20[%mul3A_45, %dma_start3A_48] : memref<512x128xf32, #tpu.memory_space<vmem_shared>> -> memref<32x128xf32, #tpu.memory_space<vmem_shared>>
      tpu.enqueue_dma source(%dma_start3A_49 : memref<32x128xf32, #tpu.memory_space<vmem_shared>>) target(%dma_start3A_47 : memref<32x128xf32, #tpu.memory_space<hbm>>) target_semaphore(%run_scoped3A : memref<!tpu.dma_semaphore, #tpu.memory_space<semaphore_mem>>)
      %dma_wait3A = arith.constant 0 : i32
      %dma_wait3A_50 = tpu.memref_slice %arg7[%arg0, %mul3A_45, %dma_wait3A] : memref<2x512x128xf32, #tpu.memory_space<hbm>> -> memref<1x32x128xf32, #tpu.memory_space<hbm>>
      %dma_wait3A_51 = tpu.memref_squeeze %dma_wait3A_50 : memref<1x32x128xf32, #tpu.memory_space<hbm>> -> memref<32x128xf32, #tpu.memory_space<hbm>>
      %dma_wait3A_52 = arith.constant 0 : i32
      %dma_wait3A_53 = tpu.memref_slice %arg20[%mul3A_45, %dma_wait3A_52] : memref<512x128xf32, #tpu.memory_space<vmem_shared>> -> memref<32x128xf32, #tpu.memory_space<vmem_shared>>
      tpu.wait_dma2 semaphore(%run_scoped3A : memref<!tpu.dma_semaphore, #tpu.memory_space<semaphore_mem>>) src(%dma_wait3A_53 : memref<32x128xf32, #tpu.memory_space<vmem_shared>>) dst(%dma_wait3A_51 : memref<32x128xf32, #tpu.memory_space<hbm>>)
      tpu.yield
    }) : () -> ()
    "tpu.region"() ({
      %run_scoped3A = tpu.sem_alloc : memref<!tpu.dma_semaphore, #tpu.memory_space<semaphore_mem>>
      %dma_start3A = arith.constant 0 : i32
      %dma_start3A_46 = tpu.memref_slice %arg8[%arg0, %mul3A_45, %dma_start3A] : memref<2x512x128xf32, #tpu.memory_space<hbm>> -> memref<1x32x128xf32, #tpu.memory_space<hbm>>
      %dma_start3A_47 = tpu.memref_squeeze %dma_start3A_46 : memref<1x32x128xf32, #tpu.memory_space<hbm>> -> memref<32x128xf32, #tpu.memory_space<hbm>>
      %dma_start3A_48 = arith.constant 0 : i32
      %dma_start3A_49 = tpu.memref_slice %arg21[%mul3A_45, %dma_start3A_48] : memref<512x128xf32, #tpu.memory_space<vmem_shared>> -> memref<32x128xf32, #tpu.memory_space<vmem_shared>>
      tpu.enqueue_dma source(%dma_start3A_49 : memref<32x128xf32, #tpu.memory_space<vmem_shared>>) target(%dma_start3A_47 : memref<32x128xf32, #tpu.memory_space<hbm>>) target_semaphore(%run_scoped3A : memref<!tpu.dma_semaphore, #tpu.memory_space<semaphore_mem>>)
      %dma_wait3A = arith.constant 0 : i32
      %dma_wait3A_50 = tpu.memref_slice %arg8[%arg0, %mul3A_45, %dma_wait3A] : memref<2x512x128xf32, #tpu.memory_space<hbm>> -> memref<1x32x128xf32, #tpu.memory_space<hbm>>
      %dma_wait3A_51 = tpu.memref_squeeze %dma_wait3A_50 : memref<1x32x128xf32, #tpu.memory_space<hbm>> -> memref<32x128xf32, #tpu.memory_space<hbm>>
      %dma_wait3A_52 = arith.constant 0 : i32
      %dma_wait3A_53 = tpu.memref_slice %arg21[%mul3A_45, %dma_wait3A_52] : memref<512x128xf32, #tpu.memory_space<vmem_shared>> -> memref<32x128xf32, #tpu.memory_space<vmem_shared>>
      tpu.wait_dma2 semaphore(%run_scoped3A : memref<!tpu.dma_semaphore, #tpu.memory_space<semaphore_mem>>) src(%dma_wait3A_53 : memref<32x128xf32, #tpu.memory_space<vmem_shared>>) dst(%dma_wait3A_51 : memref<32x128xf32, #tpu.memory_space<hbm>>)
      tpu.yield
    }) : () -> ()
    return
  }
}

module attributes {stable_mosaic.version = 14 : i64} {
  func.func @body(%arg0: memref<2x512x128xf32, #tpu.memory_space<vmem>>, %arg1: memref<2x512x128xf32, #tpu.memory_space<vmem>>, %arg2: memref<512x64xf32, #tpu.memory_space<vmem>>, %arg3: memref<64x64xf32, #tpu.memory_space<vmem>>, %arg4: memref<128x64xf32, #tpu.memory_space<vmem>>, %arg5: memref<1x64xf32, #tpu.memory_space<vmem>>, %arg6: memref<64x128xf32, #tpu.memory_space<vmem>>, %arg7: memref<1x128xf32, #tpu.memory_space<vmem>>, %arg8: memref<512x128xf32, #tpu.memory_space<vmem>>) attributes {dimension_semantics = [], scalar_prefetch = 0 : i64, scratch_operands = 0 : i64, tpu.core_type = #tpu.core_type<tc>} {
    %get3A = arith.constant 0 : index
    %get3A_0 = arith.constant 0 : index
    %get3A_1 = arith.constant 0 : index
    %get3A_2 = vector.load %arg0[%get3A, %get3A_0, %get3A_1] : memref<2x512x128xf32, #tpu.memory_space<vmem>>, vector<1x512x128xf32>
    %get3A_3 = vector.shape_cast %get3A_2 : vector<1x512x128xf32> to vector<512x128xf32>
    %get3A_4 = arith.constant 1 : index
    %get3A_5 = arith.constant 0 : index
    %get3A_6 = arith.constant 0 : index
    %get3A_7 = vector.load %arg0[%get3A_4, %get3A_5, %get3A_6] : memref<2x512x128xf32, #tpu.memory_space<vmem>>, vector<1x512x128xf32>
    %get3A_8 = vector.shape_cast %get3A_7 : vector<1x512x128xf32> to vector<512x128xf32>
    %add3A = arith.addf %get3A_3, %get3A_8 : vector<512x128xf32>
    %get3A_9 = arith.constant 0 : index
    %get3A_10 = arith.constant 0 : index
    %get3A_11 = arith.constant 0 : index
    %get3A_12 = vector.load %arg1[%get3A_9, %get3A_10, %get3A_11] : memref<2x512x128xf32, #tpu.memory_space<vmem>>, vector<1x512x128xf32>
    %get3A_13 = vector.shape_cast %get3A_12 : vector<1x512x128xf32> to vector<512x128xf32>
    %get3A_14 = arith.constant 1 : index
    %get3A_15 = arith.constant 0 : index
    %get3A_16 = arith.constant 0 : index
    %get3A_17 = vector.load %arg1[%get3A_14, %get3A_15, %get3A_16] : memref<2x512x128xf32, #tpu.memory_space<vmem>>, vector<1x512x128xf32>
    %get3A_18 = vector.shape_cast %get3A_17 : vector<1x512x128xf32> to vector<512x128xf32>
    %add3A_19 = arith.addf %get3A_13, %get3A_18 : vector<512x128xf32>
    %slice3A = vector.extract_strided_slice %add3A_19 {offsets = [0, 0], sizes = [512, 1], strides = [1, 1]} : vector<512x128xf32> to vector<512x1xf32>
    %max3A = arith.constant 1.000000e+00 : f32
    %max3A_20 = vector.broadcast %max3A : f32 to vector<512x1xf32>
    %max3A_21 = arith.maximumf %slice3A, %max3A_20 : vector<512x1xf32>
    %div3A = vector.broadcast %max3A_21 : vector<512x1xf32> to vector<512x128xf32>
    %div3A_22 = arith.divf %add3A, %div3A : vector<512x128xf32>
    %get3A_23 = arith.constant 0 : index
    %get3A_24 = arith.constant 0 : index
    %get3A_25 = vector.load %arg2[%get3A_23, %get3A_24] : memref<512x64xf32, #tpu.memory_space<vmem>>, vector<512x64xf32>
    %get3A_26 = arith.constant 0 : index
    %get3A_27 = arith.constant 0 : index
    %get3A_28 = vector.load %arg3[%get3A_26, %get3A_27] : memref<64x64xf32, #tpu.memory_space<vmem>>, vector<64x64xf32>
    %dot_general3A = arith.constant dense<0.000000e+00> : vector<512x64xf32>
    %dot_general3A_29 = tpu.matmul %get3A_25, %get3A_28, %dot_general3A {dimension_numbers = #tpu.dot_dimension_numbers<[1], [0], [0], [1], [0, 0, 1, 1], [], []>, transpose_lhs_hint = false} : vector<512x64xf32>, vector<64x64xf32>, vector<512x64xf32> -> vector<512x64xf32>
    %get3A_30 = arith.constant 0 : index
    %get3A_31 = arith.constant 0 : index
    %get3A_32 = vector.load %arg4[%get3A_30, %get3A_31] : memref<128x64xf32, #tpu.memory_space<vmem>>, vector<128x64xf32>
    %dot_general3A_33 = arith.constant dense<0.000000e+00> : vector<512x64xf32>
    %dot_general3A_34 = tpu.matmul %div3A_22, %get3A_32, %dot_general3A_33 {dimension_numbers = #tpu.dot_dimension_numbers<[1], [0], [0], [1], [0, 0, 1, 1], [], []>, transpose_lhs_hint = false} : vector<512x128xf32>, vector<128x64xf32>, vector<512x64xf32> -> vector<512x64xf32>
    %add3A_35 = arith.addf %dot_general3A_29, %dot_general3A_34 : vector<512x64xf32>
    %get3A_36 = arith.constant 0 : index
    %get3A_37 = arith.constant 0 : index
    %get3A_38 = vector.load %arg5[%get3A_36, %get3A_37] : memref<1x64xf32, #tpu.memory_space<vmem>>, vector<1x64xf32>
    %add3A_39 = vector.broadcast %get3A_38 : vector<1x64xf32> to vector<512x64xf32>
    %add3A_40 = arith.addf %add3A_35, %add3A_39 : vector<512x64xf32>
    %gt3A = arith.constant 0.000000e+00 : f32
    %gt3A_41 = vector.broadcast %gt3A : f32 to vector<512x64xf32>
    %gt3A_42 = arith.cmpf ogt, %add3A_40, %gt3A_41 : vector<512x64xf32>
    %exp3A = math.exp %add3A_40 : vector<512x64xf32>
    %sub3A = arith.constant 1.000000e+00 : f32
    %sub3A_43 = vector.broadcast %sub3A : f32 to vector<512x64xf32>
    %sub3A_44 = arith.subf %exp3A, %sub3A_43 : vector<512x64xf32>
    %select_n3A = arith.select %gt3A_42, %add3A_40, %sub3A_44 : vector<512x64xi1>, vector<512x64xf32>
    %get3A_45 = arith.constant 0 : index
    %get3A_46 = arith.constant 0 : index
    %get3A_47 = vector.load %arg6[%get3A_45, %get3A_46] : memref<64x128xf32, #tpu.memory_space<vmem>>, vector<64x128xf32>
    %dot_general3A_48 = arith.constant dense<0.000000e+00> : vector<512x128xf32>
    %dot_general3A_49 = tpu.matmul %select_n3A, %get3A_47, %dot_general3A_48 {dimension_numbers = #tpu.dot_dimension_numbers<[1], [0], [0], [1], [0, 0, 1, 1], [], []>, transpose_lhs_hint = false} : vector<512x64xf32>, vector<64x128xf32>, vector<512x128xf32> -> vector<512x128xf32>
    %get3A_50 = arith.constant 0 : index
    %get3A_51 = arith.constant 0 : index
    %get3A_52 = vector.load %arg7[%get3A_50, %get3A_51] : memref<1x128xf32, #tpu.memory_space<vmem>>, vector<1x128xf32>
    %add3A_53 = vector.broadcast %get3A_52 : vector<1x128xf32> to vector<512x128xf32>
    %add3A_54 = arith.addf %dot_general3A_49, %add3A_53 : vector<512x128xf32>
    %swap3A = arith.constant 0 : index
    %swap3A_55 = arith.constant 0 : index
    %swap3A_56 = vector.load %arg8[%swap3A, %swap3A_55] : memref<512x128xf32, #tpu.memory_space<vmem>>, vector<512x128xf32>
    tpu.vector_store %arg8[%swap3A, %swap3A_55], %add3A_54 {strides = array<i32>} : memref<512x128xf32, #tpu.memory_space<vmem>>, vector<512x128xf32>,
    return
  }
}

</mosaic_0001>

<sc_bundles>
// kernel: kernel.4.cloned.1.call-start
scs
__scs_entry_jumppad:
0x0: {  	(pc) =	sbr.rel $0x88, $3  }
0x1: {  	(tag) =	ssettag $0x0;
	lr =	simm.s32 $0x1  }
0x2: {  	[smem:$0x3F9A] =	sst lr;
	_ =	strace $0xD0000000  }
0x3: {  	_ = 	snop  }
0x4: {  	_ = 	snop  }
0x5: {  	_ = 	snop  }
0x6: {  	_ = 	snop  }
0x7: {  	_ = 	snop  }
__scs_overlays_trampoline_lowered:
0x8: {  	[smem:$0x3FA9] =	sst s0  }
0x9: {  	[smem:$0x3FAA] =	sst s1  }
0xa: {  	[smem:$0x3FAB] =	sst s2  }
0xb: {  	[smem:$0x3FAC] =	sst s3  }
0xc: {  	[smem:$0x3FAD] =	sst s4  }
0xd: {  	[smem:$0x3FAE] =	sst s5  }
0xe: {  	[smem:$0x3FAF] =	sst s6  }
0xf: {  	[smem:$0x3FB0] =	sst s7  }
0x10: {  	[smem:$0x3FB1] =	sst s8  }
0x11: {  	[smem:$0x3FB2] =	sst s9;
	s0 =	simm.s32 @!p0 $0x0  }
0x12: {  	s1 =	sld [smem:$0x3F98];
	s0 =	simm.s32 @p0 $0x1  }
0x13: {  	[smem:$0x3FB3] =	sst s0;
	s0 =	simm.s32 @!p1 $0x0  }
0x14: {  	s2 =	sld [smem:$0x3F97];
	s0 =	simm.s32 @p1 $0x1  }
0x15: {  	[smem:$0x3FB4] =	sst s0;
	s0 =	simm.s32 @!p2 $0x0  }
0x16: {  	s3 =	sld [smem:$0x3FDB];
	s0 =	simm.s32 @p2 $0x1  }
0x17: {  	s4 =	simm.s32 $0x1BF5;
	[smem:$0x3FB6] =	sst s0  }
0x18: {  	s0 =	sld [smem:$0x3F99];
	_ =	swait.ge [sflag:s4], $0x0  }
0x19: {  	s7 =	sld [smem:$0x3F9A]  }
0x1a: {  	s8 =	sadd.s32 $0xFFFFE003, lr  }
0x1b: {  	s9 =	sadd.s32 $0xFFFFFEF7, lr;
	s5 =	simm.s32 $0xFFFFFFFF;
	p2 =	slt.u32 s8, $0xFFFFF086  }
0x1c: {  	p1 =	slt.u32 s9, $0xF7A;
	s5 =	simm.s32 @!p2 $0x0  }
0x1d: {  	s5 =	simm.s32 @p1 $0x1;
	p0 =	seq.s32 s7, s2  }
0x1e: {  	s7 =	smul.u32 @!p0 $0xF7A, s2;
	p2 =	seq.s32 @!p0 s5, $0x0  }
0x1f: {  	s9 =	smul.u32 $0xF7A, s1;
	s8 =	simm.s32 @!p0 $0x1BF5;
	p2 =	por !p2, p0  }
0x20: {  	[sflag:s8] =	ssyncset.s32 @!p0 $0xFFFFF086;
	s6 =	sadd.s32 @!p0 s3, s7;
	s7 =	simm.s32 @!p0 $0x108  }
0x21: {  	s3 =	sadd.s32 s3, s9;
	s6 =	sadd.s32 @!p0 $0x88, s6;
	s7 =	simm.s32 @p2 $0x1082  }
0x22: {  	[simem:s7], [sflag:s8] =	dma.local @!p0 [hbm:s6], $0xF7A  }
0x23: {  	s9 =	sor.u32 $0xD0000000, s2;
	s6 =	simm.s32 $0x108;
	_ =	swait.ge @!p0 [sflag:s8], $0x0  }
0x24: {  	s3 =	sadd.s32 $0x88, s3;
	s6 =	simm.s32 @!p1 $0x1082;
	[sflag:s4] =	ssyncset.s32 $0xFFFFF086  }
0x25: {  	[simem:s6], [sflag:s4] =	dma.local [hbm:s3], $0xF7A  }
0x26: {  	[smem:$0x3F9A] =	sst s1;
	(tag) =	ssettag s2;
	_ =	strace s9  }
0x27: {  	s1 =	sld [smem:$0x3FAA]  }
0x28: {  	s2 =	sld [smem:$0x3FAB]  }
0x29: {  	s4 =	sld [smem:$0x3FAD]  }
0x2a: {  	p0 =	seq.s32 s5, $0x0;
	s5 =	sld [smem:$0x3FAE]  }
0x2b: {  	s6 =	sld [smem:$0x3FAF]  }
0x2c: {  	s7 =	sld [smem:$0x3FB0]  }
0x2d: {  	s3 =	simm.s32 $0x108;
	s8 =	sld [smem:$0x3FB1]  }
0x2e: {  	s3 =	simm.s32 @!p0 $0x1082;
	s9 =	sld [smem:$0x3FB2]  }
0x2f: {  	lr =	sadd.s32 s0, s3;
	s0 =	sld [smem:$0x3FA9]  }
0x30: {  	s3 =	sld [smem:$0x3FAC]  }
0x31: {  	[smem:$0x3FB5] =	sst s10  }
0x32: {  	s10 =	sld [smem:$0x3FB3];
	_ =	sdelay $0x3  }
0x33: {  	p0 =	seq.s32 s10, $0x1;
	s10 =	sld [smem:$0x3FB5];
	_ =	sdelay $0x3  }
0x34: {  	[smem:$0x3FB5] =	sst s10  }
0x35: {  	s10 =	sld [smem:$0x3FB4];
	_ =	sdelay $0x3  }
0x36: {  	p1 =	seq.s32 s10, $0x1;
	s10 =	sld [smem:$0x3FB5];
	_ =	sdelay $0x3  }
0x37: {  	[smem:$0x3FB5] =	sst s10  }
0x38: {  	s10 =	sld [smem:$0x3FB6]  }
0x39: {  	_ = 	snop;
	(pc) =	sbr.ind lr, $3  }
0x3a: {  	_ = 	snop  }
0x3b: {  	_ = 	snop  }
0x3c: {  	p2 =	seq.s32 s10, $0x1;
	s10 =	sld [smem:$0x3FB5]  }
0x3d: {  	_ =	shalt  }
0x3e: {  	_ =	shalt  }
0x3f: {  	_ =	shalt  }
0x40: {  	_ =	shalt  }
0x41: {  	_ =	shalt  }
0x42: {  	_ =	shalt  }
0x43: {  	_ =	shalt  }
0x44: {  	_ =	shalt  }
0x45: {  	_ =	shalt  }
0x46: {  	_ =	shalt  }
0x47: {  	_ =	shalt  }
0x48: {  	_ =	shalt  }
0x49: {  	_ =	shalt  }
0x4a: {  	_ =	shalt  }
0x4b: {  	_ =	shalt  }
0x4c: {  	_ =	shalt  }
0x4d: {  	_ =	shalt  }
0x4e: {  	_ =	shalt  }
0x4f: {  	_ =	shalt  }
0x50: {  	_ =	shalt  }
0x51: {  	_ =	shalt  }
0x52: {  	_ =	shalt  }
0x53: {  	_ =	shalt  }
0x54: {  	_ =	shalt  }
0x55: {  	_ =	shalt  }
0x56: {  	_ =	shalt  }
0x57: {  	_ =	shalt  }
0x58: {  	_ =	shalt  }
0x59: {  	_ =	shalt  }
0x5a: {  	_ =	shalt  }
0x5b: {  	_ =	shalt  }
0x5c: {  	_ =	shalt  }
0x5d: {  	_ =	shalt  }
0x5e: {  	_ =	shalt  }
0x5f: {  	_ =	shalt  }
0x60: {  	_ =	shalt  }
0x61: {  	_ =	shalt  }
0x62: {  	_ =	shalt  }
0x63: {  	_ =	shalt  }
0x64: {  	_ =	shalt  }
0x65: {  	_ =	shalt  }
0x66: {  	_ =	shalt  }
0x67: {  	_ =	shalt  }
0x68: {  	_ =	shalt  }
0x69: {  	_ =	shalt  }
0x6a: {  	_ =	shalt  }
0x6b: {  	_ =	shalt  }
0x6c: {  	_ =	shalt  }
0x6d: {  	_ =	shalt  }
0x6e: {  	_ =	shalt  }
0x6f: {  	_ =	shalt  }
0x70: {  	_ =	shalt  }
0x71: {  	_ =	shalt  }
0x72: {  	_ =	shalt  }
0x73: {  	_ =	shalt  }
0x74: {  	_ =	shalt  }
0x75: {  	_ =	shalt  }
0x76: {  	_ =	shalt  }
0x77: {  	_ =	shalt  }
0x78: {  	_ =	shalt  }
0x79: {  	_ =	shalt  }
0x7a: {  	_ =	shalt  }
0x7b: {  	_ =	shalt  }
0x7c: {  	_ =	shalt  }
0x7d: {  	_ =	shalt  }
0x7e: {  	_ =	shalt  }
0x7f: {  	_ =	shalt  }
0x80: {  	_ =	shalt  }
0x81: {  	_ =	shalt  }
0x82: {  	_ =	shalt  }
0x83: {  	_ =	shalt  }
0x84: {  	_ =	shalt  }
0x85: {  	_ =	shalt  }
0x86: {  	_ =	shalt  }
0x87: {  	_ =	shalt  }
.Lfunc_end0:
.L_simem_size_0:
called_computation_lowered:
.L_overlay_start_0:
0x88: {  	s2 =	sld [smem:$0x3FD9]  }
0x89: {  	s3 =	sld [smem:$0x3FFE];
	_ =	sdelay $0x1  }
0x8a: {  	s1 =	srdreg.scid  }
0x8b: {  	s0 =	sand.u32 $0x1, s1  }
0x8c: {  	s17 =	sshll.u32 s0, $0xA;
	s2 =	sadd.s32 s3, s2  }
0x8d: {  	s2 =	sadd.s32 s2, s17  }
0x8e: {  	[smem:$0x3FC1] =	sst s2  }
0x8f: {  	_ = 	snop  }
0x90: {  	s2 =	sld [smem:$0x3FC9]  }
0x91: {  	s18 =	sld [smem:$0x3FC7]  }
0x92: {  	s4 =	sld [smem:$0x3FD0];
	(tm) =	ssettm $0x1  }
0x93: {  	s5 =	sld [smem:$0x3FFB];
	_ =	sdelay $0x3  }
0x94: {  	_ =	strace s5  }
0x95: {  	s5 =	sld [smem:$0x3FFC];
	_ =	sdelay $0x3  }
0x96: {  	_ =	strace s5  }
0x97: {  	s5 =	sld [smem:$0x3FFD];
	_ =	sdelay $0x3  }
0x98: {  	_ =	strace s5  }
0x99: {  	_ =	strace $0x8FFFFFFF  }
0x9a: {  	s19 =	sld [smem:$0x3FDB];
	_ =	sdelay $0x1  }
0x9b: {  	s6 =	simm.s32 $_scs_section_size  }
0x9c: {  	s7 =	simm.s32 $_size__tile_overlayer_lowered;
	s8 =	simm.s32 $_tile_overlayer_lowered  }
0x9d: {  	s22 =	simm.s32 $0x1BFF;
	s21 =	sshll.u32 s8, $0x1;
	s5 =	sadd.s32 s6, s19  }
0x9e: {  	s9 =	simm.s32 $0x0;
	s20 =	sshll.u32 s7, $0x1;
	s7 =	sadd.s32 s21, s5  }
0x9f: {  	[timem:s9], [sflag:s22] =	dma.local [hbm:s7], s20  }
0xa0: {  	_ =	swait.ge [sflag:s22], s20  }
0xa1: {  	s6 =	ssub.s32 $0x0, s20;
	[sflag:s22] =	ssyncset.done $0x0  }
0xa2: {  	[sflag:s22] =	ssyncadd.s32 s6;
	_ =	sdelay $0x1  }
0xa3: {  	s23 =	simm.s32 $0x1B8B  }
0xa4: {  	_ =	swait.ge [sflag:s23], $0x1  }
0xa5: {  	[sflag:s23] =	ssyncset.done $0x0  }
0xa6: {  	s25 =	simm.s32 $0x1B8E;
	s24 =	sld [smem:$0x3FFE];
	[sflag:s23] =	ssyncadd.s32 $0xFFFFFFFF  }
0xa7: {  	s26 =	simm.s32 $execute0_lowered;
	[smem:$0x3FD2] =	sst s25  }
0xa8: {  	s7 =	sshll.u32 s26, $0x1;
	_ =	strace $0x80000046;
	[dreg:$0x1] =	wrdreg $0xFFFFFFFF  }
0xa9: {  	s28 =	simm.s32 $_size_execute0_lowered;
	s5 =	sadd.s32 s5, s7;
	[dreg:$0x0] =	wrdreg $0x0  }
0xaa: {  	s7 =	sshll.u32 s28, $0x1;
	[dreg:$0x2] =	wrdreg s5  }
0xab: {  	[dreg:$0x3] =	wrdreg s7  }
0xac: {  	[dreg:$0x4] =	wrdreg $0xC0  }
0xad: {  	_ =	task [dreg:s9], $0x5FFFF  }
0xae: {  	[dreg:$0x1] =	wrdreg $0xFFFFFFFF  }
0xaf: {  	[dreg:$0x0] =	wrdreg $0x60  }
0xb0: {  	[dreg:$0x2] =	wrdreg s2  }
0xb1: {  	[dreg:$0x3] =	wrdreg s18  }
0xb2: {  	[dreg:$0x4] =	wrdreg s4  }
0xb3: {  	[dreg:$0x5] =	wrdreg s24  }
0xb4: {  	[dreg:$0x6] =	wrdreg $0x152800  }
0xb5: {  	[dreg:$0x7] =	wrdreg $0x162800  }
0xb6: {  	[dreg:$0x8] =	wrdreg $0x9  }
0xb7: {  	_ =	task.clear_ibuf [dreg:s9], $0x9FFFF;
	_ =	strace $0x90000046  }
0xb8: {  	s29 =	simm.s32 $0x9;
	_ =	strace $0x80000048  }
0xb9: {  	_ =	swait.ge [sflag:s29], $0x1  }
0xba: {  	[sflag:s29] =	ssyncadd.s32 $0xFFFFFFFF  }
0xbb: {  	_ =	strace $0x90000048  }
0xbc: {  	_ =	sfence  }
0xbd: {  	s30 =	sld [smem:$0x0];
	_ =	sdelay $0x2  }
0xbe: {  	s31 =	sshll.u32 s1, $0xD;
	s1 =	sshrl.u32 s1, $0x2  }
0xbf: {  	s3 =	sand.u32 $0x4000, s31;
	s1 =	sadd.s32 s1, s30  }
0xc0: {  	s0 =	sor.u32 s3, s0;
	s1 =	sshll.u32 s1, $0x11  }
0xc1: {  	s0 =	sor.u32 s1, s0  }
0xc2: {  	s0 =	sadd.s32 $0x8F2B, s0  }
0xc3: {  	[sflag:s0] =	ssyncadd.remote.s32 $0x1  }
0xc4: {  	_ =	sfence.sel $0xFFFF  }
0xc5: {  	[dreg:$0x0] =	wrdreg $0xFFFFFFFF;
	(pc) =	sbr.abs _section_cstart, $3  }
0xc6: {  	[dreg:$0x1] =	wrdreg $0xFFFFFFFF  }
0xc7: {  	_ =	task.clear_ibuf [dreg:s9], $0x2FFFF;
	_ =	strace $0x9FFFFFFF  }
0xc8: {  	(tm) =	ssettm $0x7FFFFFFF  }
0xc9: {  	_ =	shalt  }
tec
execute0_lowered:
.L_overlay_start_1:
0x0: {  	(tag) =	ssettag $0x1  }
0x1: {  	s0 =	rddreg [dreg:$0x0]  }
0x2: {  	s1 =	rddreg [dreg:$0x1]  }
0x3: {  	s5 =	rddreg [dreg:$0x3]  }
0x4: {  	s2 =	rddreg [dreg:$0x4]  }
0x5: {  	s3 =	rddreg [dreg:$0x5];
	s4 =	simm.s32 $0x0;
	s6 =	srdreg.scid  }
0x6: {  	s20 =	stileid.u32;
	[smem:$0x7FF] =	sst s4  }
0x7: {  	s6 =	sand.u32 $0x1, s6;
	s8 =	sshll.u32 s20, $0xC;
	s9 =	sadd.s32 $0x1A00, s5  }
0x8: {  	s11 =	sshll.u32 s20, $0x1;
	s29 =	sadd.s32 $0x30D0, s1;
	s13 =	sadd.s32 $0x186800, s0  }
0x9: {  	s17 =	sshll.u32 s20, $0x5;
	p0 =	sne.s32 s20, $0x0;
	s20 =	simm.s32 $0x9  }
0xa: {  	_ =	strace $0x80000047;
	s7 =	sshll.u32 s6, $0x10;
	[dreg:$0x9] =	wrdreg s9  }
0xb: {  	s19 =	ssub.s32 $0x2, s6;
	[dreg:$0xe] =	wrdreg s29;
	s30 =	sadd.s32 s8, s3  }
0xc: {  	s31 =	sshll.u32 s6, $0x4;
	s7 =	sor.u32 s8, s7;
	s10 =	sshrl.u32 s19, $0x1  }
0xd: {  	s7 =	sshrl.u32 s7, $0x3;
	s16 =	ssub.s32 s19, s10;
	s19 =	sadd.s32 s8, s2  }
0xe: {  	s5 =	sadd.s32 s7, s5;
	s7 =	sor.u32 s6, s11;
	s6 =	sshll.u32 s6, $0xB  }
0xf: {  	s16 =	smax.u32 s16, $0x1;
	s21 =	sshll.u32 s7, $0x4;
	s22 =	sshll.u32 s7, $0xB  }
0x10: {  	s11 =	sor.u32 $0x20, s7;
	s12 =	ssub.s32 $0x30D, s7;
	s28 =	ssub.s32 $0x2ED, s7  }
0x11: {  	s14 =	sadd.s32 $0x2200, s5;
	s15 =	sadd.s32 $0x6200, s5;
	[dreg:$0x7] =	wrdreg s12  }
0x12: {  	p1 =	sne.s32 s7, $0xD;
	s9 =	sadd.s32 s1, s21;
	[dreg:$0x8] =	wrdreg s28  }
0x13: {  	s23 =	sadd.s32 s0, s22;
	s24 =	sshll.u32 s11, $0x4;
	[dreg:$0xa] =	wrdreg s9  }
0x14: {  	s11 =	sshll.u32 s11, $0xB;
	[dreg:$0xb] =	wrdreg s23;
	s25 =	sadd.s32 s1, s24  }
0x15: {  	s26 =	sadd.s32 s0, s11;
	s1 =	sadd.s32 s17, s1;
	s0 =	sadd.s32 s8, s0  }
0x16: {  	s24 =	sshrl.u32 s19, $0x3;
	[dreg:$0xc] =	wrdreg s25;
	s0 =	sadd.s32 s6, s0  }
0x17: {  	[dreg:$0xd] =	wrdreg s26;
	s18 =	sadd.s32 $0x30000, s0;
	s0 =	simm.s32 @!p0 $0x0  }
0x18: {  	s1 =	sadd.s32 s31, s1;
	s25 =	sshrl.u32 s30, $0x3;
	s0 =	simm.s32 @p0 $0x1  }
0x19: {  	s26 =	simm.s32 $0x0;
	s17 =	sadd.s32 $0x600, s1;
	[smem:$0x7FD] =	sst s0  }
.LBB2_1:
0x1a: {  	s0 =	sld [smem:$0x7FD];
	_ =	sdelay $0x2  }
0x1b: {  	p0 =	seq.s32 s0, $0x1  }
0x1c: {  	s6 =	rddreg [dreg:$0x2];
	s0 =	sshrl.u32 @!p0 s2, $0x3;
	s1 =	simm.s32 @!p0 $0x1C09  }
0x1d: {  	[spmem:s0], [sflag:s1] =	dma.local @!p0 [hbm:s6], $0x2000  }
0x1e: {  	s0 =	simm.s32 @!p0 $0x9  }
0x1f: {  	_ =	swait.ge @!p0 [sflag:s0], $0x2000  }
0x20: {  	[sflag:s0] =	ssyncset.done @!p0 $0x0  }
0x21: {  	s5 =	sshrl.u32 @!p0 s3, $0x3;
	[sflag:s0] =	ssyncadd.s32 @!p0 $0xFFFFE000  }
0x22: {  	[spmem:s5], [sflag:s1] =	dma.local @!p0 [hbm:s6], $0x2000  }
0x23: {  	_ =	swait.ge @!p0 [sflag:s0], $0x2000  }
0x24: {  	[sflag:s0] =	ssyncset.done @!p0 $0x0  }
0x25: {  	s19 =	simm.s32 $0x11280;
	s12 =	rddreg [dreg:$0x9];
	[sflag:s0] =	ssyncadd.s32 @!p0 $0xFFFFE000  }
0x26: {  	[tilespmem:s19], [sflag:$0x9] =	stream.linear.gather [hbm4b:s12+s4], $0x4000, $0x38;
	[tilespmem:$0x17280] =	vst v63  }
0x27: {  	_ =	swait.ge [sflag:s20], $0x4000  }
0x28: {  	[sflag:s20] =	ssyncset.done $0x0  }
0x29: {  	[sflag:s20] =	ssyncadd.s32 $0xFFFFC000  }
0x2a: {  	[bflag:$0x0] =	sbarrier.arrive $0xFFFF  }
0x2b: {  	s21 =	rddreg [dreg:$0xa]  }
0x2c: {  	s22 =	rddreg [dreg:$0xb]  }
0x2d: {  	[tilespmem:s4], [sflag:$0x1] =	stream.linear.gather [hbm4b:s21+s4], $0x80, $0x38;
	[tilespmem:$0x17280] =	vst v63  }
0x2e: {  	s23 =	simm.s32 $0x200;
	s6 =	rddreg [dreg:$0x7]  }
0x2f: {  	[tilespmem:s23], [sflag:$0x1] =	stream.linear.gather [hbm4b:s22+s4], $0x4000, $0x38;
	[tilespmem:$0x17280] =	vst v63  }
0x30: {  	s5 =	simm.s32 $0x80;
	s1 =	rddreg [dreg:$0xc];
	p2 =	sle.u32 s6, $0x0  }
0x31: {  	[tilespmem:s5], [sflag:$0x2] =	stream.linear.gather [hbm4b:s1+s4], $0x80, $0x38;
	[tilespmem:$0x17280] =	vst v63  }
0x32: {  	s9 =	simm.s32 $0x4200;
	s8 =	rddreg [dreg:$0xd];
	s0 =	simm.s32 @!p2 $0x1  }
0x33: {  	[tilespmem:s9], [sflag:$0x2] =	stream.linear.gather [hbm4b:s8+s4], $0x4000, $0x38;
	[tilespmem:$0x17280] =	vst v63  }
0x34: {  	_ =	swait.ge @!p2 [sflag:s0], $0x80  }
0x35: {  	[sflag:s0] =	ssyncset.done @!p2 $0x0  }
0x36: {  	[sflag:s0] =	ssyncadd.s32 @!p2 $0xFFFFFF80  }
0x37: {  	_ =	swait.ge @!p2 [sflag:s0], $0x4000  }
0x38: {  	p4 =	por $0x1, $0x1;
	s1 =	simm.s32 @!p2 $0x80;
	[sflag:s0] =	ssyncset.done @!p2 $0x0  }
0x39: {  	s5 =	simm.s32 @!p2 $0x0;
	[sflag:s0] =	ssyncadd.s32 @!p2 $0xFFFFC000;
	s0 =	simm.s32 @!p2 $0x200  }
0x3a: {  	[spmem:s2] =	stream.indirect.scatter.add.f32 @!p2 [tilespmem:s0], [sflag:$0x5], $0x80, s5, s1, $0xb8;
	[tilespmem:$0x17280] =	vst v63  }
0x3b: {  	s6 =	simm.s32 @!p4 $0x7;
	s0 =	simm.s32 @!p2 $0x11280  }
0x3c: {  	[spmem:s3] =	stream.indirect.scatter.add.f32 @!p2 [tilespmem:s0], [sflag:$0x5], $0x80, s5, s1, $0xb8;
	[tilespmem:$0x17280] =	vst v63  }
0x3d: {  	_ =	swait.ge @!p4 [sflag:s6], $0x4000  }
0x3e: {  	s10 =	sadd.s32 $0x0, s7;
	[sflag:s6] =	ssyncset.done @!p4 $0x0  }
0x3f: {  	s11 =	sadd.s32 $0x40, s10;
	[sflag:s6] =	ssyncadd.s32 @!p4 $0xFFFFC000  }
0x40: {  	p0 =	sgt.u32 s11, $0x30C;
	_ =	swait.ge @!p4 [sflag:s6], $0x4000  }
0x41: {  	s19 =	simm.s32 @!p0 $0x100;
	s8 =	simm.s32 @!p0 $0x0;
	[sflag:s6] =	ssyncset.done @!p4 $0x0  }
0x42: {  	s1 =	sadd.s32 @!p0 $0xFFFFFE00, s17;
	s12 =	rddreg [dreg:$0x8];
	[sflag:s6] =	ssyncadd.s32 @!p4 $0xFFFFC000  }
0x43: {  	[tilespmem:s19], [sflag:$0x3] =	stream.linear.gather @!p0 [hbm4b:s1+s8], $0x80, $0x38;
	[tilespmem:$0x17280] =	vst v63  }
0x44: {  	s6 =	simm.s32 @!p0 $0x8200;
	p3 =	sle.u32 s12, $0x0;
	s1 =	sadd.s32 @!p0 $0xFFFF0000, s18  }
0x45: {  	[tilespmem:s6], [sflag:$0x3] =	stream.linear.gather @!p0 [hbm4b:s1+s8], $0x4000, $0x38;
	[tilespmem:$0x17280] =	vst v63  }
0x46: {  	s1 =	simm.s32 @!p3 $0x2  }
0x47: {  	_ =	swait.ge @!p3 [sflag:s1], $0x80  }
0x48: {  	[sflag:s1] =	ssyncset.done @!p3 $0x0  }
0x49: {  	[sflag:s1] =	ssyncadd.s32 @!p3 $0xFFFFFF80  }
0x4a: {  	_ =	swait.ge @!p3 [sflag:s1], $0x4000  }
0x4b: {  	[sflag:s1] =	ssyncset.done @!p3 $0x0  }
0x4c: {  	s5 =	simm.s32 @!p3 $0x80;
	s8 =	simm.s32 @!p3 $0x4200;
	[sflag:s1] =	ssyncadd.s32 @!p3 $0xFFFFC000  }
0x4d: {  	[spmem:s2] =	stream.indirect.scatter.add.f32 @!p3 [tilespmem:s8], [sflag:$0x6], $0x80, s5, s5, $0xb8;
	[tilespmem:$0x17280] =	vst v63  }
0x4e: {  	s1 =	simm.s32 @!p3 $0x11280;
	s8 =	simm.s32 @!p4 $0x8  }
0x4f: {  	[spmem:s3] =	stream.indirect.scatter.add.f32 @!p3 [tilespmem:s1], [sflag:$0x6], $0x80, s5, s5, $0xb8;
	[tilespmem:$0x17280] =	vst v63  }
0x50: {  	_ =	swait.ge @!p4 [sflag:s8], $0x4000  }
0x51: {  	[sflag:s8] =	ssyncset.done @!p4 $0x0  }
0x52: {  	[sflag:s8] =	ssyncadd.s32 @!p4 $0xFFFFC000  }
0x53: {  	s21 =	sadd.s32 $0x60, s10;
	_ =	swait.ge @!p4 [sflag:s8], $0x4000  }
0x54: {  	p5 =	sgt.u32 s21, $0x30C;
	[sflag:s8] =	ssyncset.done @!p4 $0x0  }
0x55: {  	s1 =	simm.s32 @!p5 $0x0;
	s5 =	simm.s32 @!p5 $0x180;
	[sflag:s8] =	ssyncadd.s32 @!p4 $0xFFFFC000  }
0x56: {  	[tilespmem:s5], [sflag:$0x4] =	stream.linear.gather @!p5 [hbm4b:s17+s1], $0x80, $0x38;
	[tilespmem:$0x17280] =	vst v63  }
0x57: {  	s21 =	simm.s32 @!p0 $0x3;
	s8 =	simm.s32 @!p5 $0xC200  }
0x58: {  	[tilespmem:s8], [sflag:$0x4] =	stream.linear.gather @!p5 [hbm4b:s18+s1], $0x4000, $0x38;
	[tilespmem:$0x17280] =	vst v63  }
0x59: {  	_ =	swait.ge @!p0 [sflag:s21], $0x80  }
0x5a: {  	[sflag:s21] =	ssyncset.done @!p0 $0x0  }
0x5b: {  	[sflag:s21] =	ssyncadd.s32 @!p0 $0xFFFFFF80  }
0x5c: {  	_ =	swait.ge @!p0 [sflag:s21], $0x4000  }
0x5d: {  	[sflag:s21] =	ssyncset.done @!p0 $0x0  }
0x5e: {  	s1 =	simm.s32 @!p0 $0x80;
	[sflag:s21] =	ssyncadd.s32 @!p0 $0xFFFFC000  }
0x5f: {  	[spmem:s2] =	stream.indirect.scatter.add.f32 @!p0 [tilespmem:s6], [sflag:$0x7], $0x80, s19, s1, $0xb8;
	[tilespmem:$0x17280] =	vst v63  }
0x60: {  	s21 =	simm.s32 @!p0 $0x11280;
	s6 =	simm.s32 @!p2 $0x5  }
0x61: {  	[spmem:s3] =	stream.indirect.scatter.add.f32 @!p0 [tilespmem:s21], [sflag:$0x7], $0x80, s19, s1, $0xb8;
	[tilespmem:$0x17280] =	vst v63  }
0x62: {  	_ =	swait.ge @!p2 [sflag:s6], $0x4000  }
0x63: {  	[sflag:s6] =	ssyncset.done @!p2 $0x0  }
0x64: {  	[sflag:s6] =	ssyncadd.s32 @!p2 $0xFFFFC000  }
0x65: {  	s22 =	sadd.s32 $0x80, s10;
	_ =	swait.ge @!p2 [sflag:s6], $0x4000  }
0x66: {  	p0 =	sgt.u32 s22, $0x30C;
	[sflag:s6] =	ssyncset.done @!p2 $0x0  }
0x67: {  	s1 =	sadd.s32 @!p0 $0x200, s17;
	s19 =	simm.s32 @!p0 $0x0;
	[sflag:s6] =	ssyncadd.s32 @!p2 $0xFFFFC000  }
0x68: {  	[tilespmem:s19], [sflag:$0x1] =	stream.linear.gather @!p0 [hbm4b:s1+s19], $0x80, $0x38;
	[tilespmem:$0x17280] =	vst v63  }
0x69: {  	s21 =	simm.s32 @!p0 $0x200;
	s6 =	sadd.s32 @!p0 $0x10000, s18;
	s1 =	simm.s32 @!p5 $0x4  }
0x6a: {  	[tilespmem:s21], [sflag:$0x1] =	stream.linear.gather @!p0 [hbm4b:s6+s19], $0x4000, $0x38;
	[tilespmem:$0x17280] =	vst v63  }
0x6b: {  	_ =	swait.ge @!p5 [sflag:s1], $0x80  }
0x6c: {  	[sflag:s1] =	ssyncset.done @!p5 $0x0  }
0x6d: {  	[sflag:s1] =	ssyncadd.s32 @!p5 $0xFFFFFF80  }
0x6e: {  	_ =	swait.ge @!p5 [sflag:s1], $0x4000  }
0x6f: {  	[sflag:s1] =	ssyncset.done @!p5 $0x0  }
0x70: {  	s6 =	simm.s32 @!p5 $0x80;
	[sflag:s1] =	ssyncadd.s32 @!p5 $0xFFFFC000  }
0x71: {  	[spmem:s2] =	stream.indirect.scatter.add.f32 @!p5 [tilespmem:s8], [sflag:$0x8], $0x80, s5, s6, $0xb8;
	[tilespmem:$0x17280] =	vst v63  }
0x72: {  	s1 =	simm.s32 @!p5 $0x11280;
	s8 =	simm.s32 @!p3 $0x6  }
0x73: {  	[spmem:s3] =	stream.indirect.scatter.add.f32 @!p5 [tilespmem:s1], [sflag:$0x8], $0x80, s5, s6, $0xb8;
	[tilespmem:$0x17280] =	vst v63  }
0x74: {  	s31 =	simm.s32 $0x80;
	_ =	swait.ge @!p3 [sflag:s8], $0x4000  }
0x75: {  	s28 =	simm.s32 $0x100;
	s0 =	sadd.s32 $0xA0, s10;
	[sflag:s8] =	ssyncset.done @!p3 $0x0  }
0x76: {  	s30 =	sadd.s32 $0x800, s17;
	p0 =	sgt.u32 s0, $0x30C;
	[sflag:s8] =	ssyncadd.s32 @!p3 $0xFFFFC000  }
0x77: {  	s29 =	sadd.s32 $0x40000, s18;
	s0 =	sadd.s32 @!p0 $0x400, s17;
	_ =	swait.ge @!p3 [sflag:s8], $0x4000  }
0x78: {  	s1 =	simm.s32 @!p0 $0x0;
	s6 =	simm.s32 @!p0 $0x80;
	[sflag:s8] =	ssyncset.done @!p3 $0x0  }
0x79: {  	s5 =	sadd.s32 @!p0 $0x20000, s18;
	s23 =	rddreg [dreg:$0x7];
	[sflag:s8] =	ssyncadd.s32 @!p3 $0xFFFFC000  }
0x7a: {  	[tilespmem:s6], [sflag:$0x2] =	stream.linear.gather @!p0 [hbm4b:s0+s1], $0x80, $0x38;
	[tilespmem:$0x17280] =	vst v63  }
0x7b: {  	p2 =	sle.u32 s23, $0x80;
	s0 =	simm.s32 $0x180;
	s6 =	simm.s32 @!p0 $0x4200  }
.LBB2_2:
0x7c: {  	s9 =	simm.s32 @!p2 $0x1  }
0x7d: {  	[tilespmem:s6], [sflag:$0x2] =	stream.linear.gather @!p0 [hbm4b:s5+s1], $0x4000, $0x38;
	[tilespmem:$0x17280] =	vst v63  }
0x7e: {  	_ =	swait.ge @!p2 [sflag:s9], $0x80  }
0x7f: {  	[sflag:s9] =	ssyncset.done @!p2 $0x0  }
0x80: {  	[sflag:s9] =	ssyncadd.s32 @!p2 $0xFFFFFF80  }
0x81: {  	_ =	swait.ge @!p2 [sflag:s9], $0x4000  }
0x82: {  	s5 =	simm.s32 @!p2 $0x80;
	s6 =	simm.s32 @!p2 $0x0;
	[sflag:s9] =	ssyncset.done @!p2 $0x0  }
0x83: {  	p0 =	seq.s32 s31, $0x0;
	[sflag:s9] =	ssyncadd.s32 @!p2 $0xFFFFC000;
	s9 =	simm.s32 @!p2 $0x200  }
0x84: {  	[spmem:s2] =	stream.indirect.scatter.add.f32 @!p2 [tilespmem:s9], [sflag:$0x5], $0x80, s6, s5, $0xb8;
	[tilespmem:$0x17280] =	vst v63  }
0x85: {  	s10 =	simm.s32 @!p2 $0x11280;
	s9 =	simm.s32 @!p0 $0x7  }
0x86: {  	[spmem:s3] =	stream.indirect.scatter.add.f32 @!p2 [tilespmem:s10], [sflag:$0x5], $0x80, s6, s5, $0xb8;
	[tilespmem:$0x17280] =	vst v63  }
0x87: {  	s11 =	sadd.s32 s31, s7;
	_ =	swait.ge @!p0 [sflag:s9], $0x4000  }
0x88: {  	s1 =	sadd.s32 $0x60, s11;
	s23 =	sadd.s32 $0x80, s11;
	[sflag:s9] =	ssyncset.done @!p0 $0x0  }
0x89: {  	s22 =	sadd.s32 $0xA0, s11;
	s11 =	sadd.s32 $0x40, s11;
	[sflag:s9] =	ssyncadd.s32 @!p0 $0xFFFFC000  }
0x8a: {  	p5 =	sgt.u32 s11, $0x30C;
	_ =	swait.ge @!p0 [sflag:s9], $0x4000  }
0x8b: {  	s6 =	sadd.s32 @!p5 $0xFFFFFE00, s30;
	s10 =	simm.s32 @!p5 $0x0;
	[sflag:s9] =	ssyncset.done @!p0 $0x0  }
0x8c: {  	s5 =	simm.s32 @!p5 $0x100;
	s12 =	rddreg [dreg:$0x8];
	[sflag:s9] =	ssyncadd.s32 @!p0 $0xFFFFC000  }
0x8d: {  	[tilespmem:s5], [sflag:$0x3] =	stream.linear.gather @!p5 [hbm4b:s6+s10], $0x80, $0x38;
	[tilespmem:$0x17280] =	vst v63  }
0x8e: {  	s9 =	sadd.s32 @!p5 $0xFFFF0000, s29;
	p4 =	sge.u32 s31, s12;
	s6 =	simm.s32 @!p5 $0x8200  }
0x8f: {  	[tilespmem:s6], [sflag:$0x3] =	stream.linear.gather @!p5 [hbm4b:s9+s10], $0x4000, $0x38;
	[tilespmem:$0x17280] =	vst v63  }
0x90: {  	s9 =	simm.s32 @!p4 $0x2  }
0x91: {  	_ =	swait.ge @!p4 [sflag:s9], $0x80  }
0x92: {  	[sflag:s9] =	ssyncset.done @!p4 $0x0  }
0x93: {  	[sflag:s9] =	ssyncadd.s32 @!p4 $0xFFFFFF80  }
0x94: {  	s8 =	smov.u32 s0;
	_ =	swait.ge @!p4 [sflag:s9], $0x4000  }
0x95: {  	s31 =	smov.u32 s28;
	s28 =	smov.u32 s8;
	[sflag:s9] =	ssyncset.done @!p4 $0x0  }
0x96: {  	s8 =	simm.s32 @!p4 $0x80;
	s10 =	simm.s32 @!p4 $0x4200;
	[sflag:s9] =	ssyncadd.s32 @!p4 $0xFFFFC000  }
0x97: {  	[spmem:s2] =	stream.indirect.scatter.add.f32 @!p4 [tilespmem:s10], [sflag:$0x6], $0x80, s8, s8, $0xb8;
	[tilespmem:$0x17280] =	vst v63  }
0x98: {  	s9 =	simm.s32 @!p4 $0x11280;
	s10 =	simm.s32 @!p0 $0x8  }
0x99: {  	[spmem:s3] =	stream.indirect.scatter.add.f32 @!p4 [tilespmem:s9], [sflag:$0x6], $0x80, s8, s8, $0xb8;
	[tilespmem:$0x17280] =	vst v63  }
0x9a: {  	_ =	swait.ge @!p0 [sflag:s10], $0x4000  }
0x9b: {  	[sflag:s10] =	ssyncset.done @!p0 $0x0  }
0x9c: {  	[sflag:s10] =	ssyncadd.s32 @!p0 $0xFFFFC000  }
0x9d: {  	_ =	swait.ge @!p0 [sflag:s10], $0x4000  }
0x9e: {  	p6 =	sgt.u32 s1, $0x30C;
	[sflag:s10] =	ssyncset.done @!p0 $0x0  }
0x9f: {  	s1 =	simm.s32 @!p6 $0x180;
	s8 =	simm.s32 @!p6 $0x0;
	[sflag:s10] =	ssyncadd.s32 @!p0 $0xFFFFC000  }
0xa0: {  	[tilespmem:s1], [sflag:$0x4] =	stream.linear.gather @!p6 [hbm4b:s30+s8], $0x80, $0x38;
	[tilespmem:$0x17280] =	vst v63  }
0xa1: {  	s9 =	simm.s32 @!p6 $0xC200;
	s10 =	simm.s32 @!p5 $0x3  }
0xa2: {  	[tilespmem:s9], [sflag:$0x4] =	stream.linear.gather @!p6 [hbm4b:s29+s8], $0x4000, $0x38;
	[tilespmem:$0x17280] =	vst v63  }
0xa3: {  	_ =	swait.ge @!p5 [sflag:s10], $0x80  }
0xa4: {  	[sflag:s10] =	ssyncset.done @!p5 $0x0  }
0xa5: {  	[sflag:s10] =	ssyncadd.s32 @!p5 $0xFFFFFF80  }
0xa6: {  	_ =	swait.ge @!p5 [sflag:s10], $0x4000  }
0xa7: {  	[sflag:s10] =	ssyncset.done @!p5 $0x0  }
0xa8: {  	s11 =	simm.s32 @!p5 $0x80;
	[sflag:s10] =	ssyncadd.s32 @!p5 $0xFFFFC000  }
0xa9: {  	[spmem:s2] =	stream.indirect.scatter.add.f32 @!p5 [tilespmem:s6], [sflag:$0x7], $0x80, s5, s11, $0xb8;
	[tilespmem:$0x17280] =	vst v63  }
0xaa: {  	s12 =	simm.s32 @!p5 $0x11280;
	s8 =	simm.s32 @!p2 $0x5  }
0xab: {  	[spmem:s3] =	stream.indirect.scatter.add.f32 @!p5 [tilespmem:s12], [sflag:$0x7], $0x80, s5, s11, $0xb8;
	[tilespmem:$0x17280] =	vst v63  }
0xac: {  	_ =	swait.ge @!p2 [sflag:s8], $0x4000  }
0xad: {  	[sflag:s8] =	ssyncset.done @!p2 $0x0  }
0xae: {  	[sflag:s8] =	ssyncadd.s32 @!p2 $0xFFFFC000  }
0xaf: {  	_ =	swait.ge @!p2 [sflag:s8], $0x4000  }
0xb0: {  	p0 =	sgt.u32 s23, $0x30C;
	[sflag:s8] =	ssyncset.done @!p2 $0x0  }
0xb1: {  	s10 =	simm.s32 @!p0 $0x0;
	s6 =	sadd.s32 @!p0 $0x200, s30;
	[sflag:s8] =	ssyncadd.s32 @!p2 $0xFFFFC000  }
0xb2: {  	[tilespmem:s10], [sflag:$0x1] =	stream.linear.gather @!p0 [hbm4b:s6+s10], $0x80, $0x38;
	[tilespmem:$0x17280] =	vst v63  }
0xb3: {  	s5 =	simm.s32 @!p6 $0x4;
	s8 =	simm.s32 @!p0 $0x200;
	s6 =	sadd.s32 @!p0 $0x10000, s29  }
0xb4: {  	[tilespmem:s8], [sflag:$0x1] =	stream.linear.gather @!p0 [hbm4b:s6+s10], $0x4000, $0x38;
	[tilespmem:$0x17280] =	vst v63  }
0xb5: {  	_ =	swait.ge @!p6 [sflag:s5], $0x80  }
0xb6: {  	[sflag:s5] =	ssyncset.done @!p6 $0x0  }
0xb7: {  	[sflag:s5] =	ssyncadd.s32 @!p6 $0xFFFFFF80  }
0xb8: {  	_ =	swait.ge @!p6 [sflag:s5], $0x4000  }
0xb9: {  	[sflag:s5] =	ssyncset.done @!p6 $0x0  }
0xba: {  	s6 =	simm.s32 @!p6 $0x80;
	[sflag:s5] =	ssyncadd.s32 @!p6 $0xFFFFC000  }
0xbb: {  	[spmem:s2] =	stream.indirect.scatter.add.f32 @!p6 [tilespmem:s9], [sflag:$0x8], $0x80, s1, s6, $0xb8;
	[tilespmem:$0x17280] =	vst v63  }
0xbc: {  	s8 =	simm.s32 @!p4 $0x6;
	s5 =	simm.s32 @!p6 $0x11280  }
0xbd: {  	[spmem:s3] =	stream.indirect.scatter.add.f32 @!p6 [tilespmem:s5], [sflag:$0x8], $0x80, s1, s6, $0xb8;
	[tilespmem:$0x17280] =	vst v63  }
0xbe: {  	s0 =	sadd.s32 $0x80, s0;
	s19 =	smov.u32 s30;
	_ =	swait.ge @!p4 [sflag:s8], $0x4000  }
0xbf: {  	s21 =	smov.u32 s29;
	p3 =	sne.s32 s0, $0x380;
	[sflag:s8] =	ssyncset.done @!p4 $0x0  }
0xc0: {  	s30 =	sadd.s32 $0x800, s30;
	s29 =	sadd.s32 $0x40000, s29;
	[sflag:s8] =	ssyncadd.s32 @!p4 $0xFFFFC000  }
.Ltmp0:
0xc1: {  	p0 =	sgt.u32 s22, $0x30C;
	_ =	swait.ge @!p4 [sflag:s8], $0x4000;
	(pc) =	sbr.rel @p3 .LBB2_2-.Ltmp0, $4  }
0xc2: {  	s6 =	sadd.s32 @!p0 $0x400, s19;
	s1 =	simm.s32 @!p0 $0x0;
	[sflag:s8] =	ssyncset.done @!p4 $0x0  }
0xc3: {  	s23 =	rddreg [dreg:$0x7];
	[sflag:s8] =	ssyncadd.s32 @!p4 $0xFFFFC000;
	s8 =	simm.s32 @!p0 $0x80  }
0xc4: {  	[tilespmem:s8], [sflag:$0x2] =	stream.linear.gather @!p0 [hbm4b:s6+s1], $0x80, $0x38;
	[tilespmem:$0x17280] =	vst v63  }
0xc5: {  	s5 =	sadd.s32 @!p0 $0x20000, s21;
	p2 =	sge.u32 s31, s23;
	s6 =	simm.s32 @!p0 $0x4200  }
0xc6: {  	s0 =	simm.s32 @!p2 $0x1  }
0xc7: {  	[tilespmem:s6], [sflag:$0x2] =	stream.linear.gather @!p0 [hbm4b:s5+s1], $0x4000, $0x38;
	[tilespmem:$0x17280] =	vst v63  }
0xc8: {  	_ =	swait.ge @!p2 [sflag:s0], $0x80  }
0xc9: {  	[sflag:s0] =	ssyncset.done @!p2 $0x0  }
0xca: {  	[sflag:s0] =	ssyncadd.s32 @!p2 $0xFFFFFF80  }
0xcb: {  	_ =	swait.ge @!p2 [sflag:s0], $0x4000  }
0xcc: {  	s1 =	simm.s32 @!p2 $0x80;
	s5 =	simm.s32 @!p2 $0x0;
	[sflag:s0] =	ssyncset.done @!p2 $0x0  }
0xcd: {  	p4 =	seq.s32 s31, $0x0;
	[sflag:s0] =	ssyncadd.s32 @!p2 $0xFFFFC000;
	s0 =	simm.s32 @!p2 $0x200  }
0xce: {  	[spmem:s2] =	stream.indirect.scatter.add.f32 @!p2 [tilespmem:s0], [sflag:$0x5], $0x80, s5, s1, $0xb8;
	[tilespmem:$0x17280] =	vst v63  }
0xcf: {  	s6 =	simm.s32 @!p4 $0x7;
	s0 =	simm.s32 @!p2 $0x11280  }
0xd0: {  	[spmem:s3] =	stream.indirect.scatter.add.f32 @!p2 [tilespmem:s0], [sflag:$0x5], $0x80, s5, s1, $0xb8;
	[tilespmem:$0x17280] =	vst v63  }
0xd1: {  	_ =	swait.ge @!p4 [sflag:s6], $0x4000  }
0xd2: {  	s23 =	sadd.s32 s31, s7;
	[sflag:s6] =	ssyncset.done @!p4 $0x0  }
0xd3: {  	s10 =	sadd.s32 $0x40, s23;
	[sflag:s6] =	ssyncadd.s32 @!p4 $0xFFFFC000  }
0xd4: {  	p0 =	sgt.u32 s10, $0x30C;
	_ =	swait.ge @!p4 [sflag:s6], $0x4000  }
0xd5: {  	s8 =	simm.s32 @!p0 $0x0;
	s9 =	simm.s32 @!p0 $0x100;
	[sflag:s6] =	ssyncset.done @!p4 $0x0  }
0xd6: {  	s1 =	sadd.s32 @!p0 $0xFFFFFE00, s30;
	s11 =	rddreg [dreg:$0x8];
	[sflag:s6] =	ssyncadd.s32 @!p4 $0xFFFFC000  }
0xd7: {  	[tilespmem:s9], [sflag:$0x3] =	stream.linear.gather @!p0 [hbm4b:s1+s8], $0x80, $0x38;
	[tilespmem:$0x17280] =	vst v63  }
0xd8: {  	s6 =	simm.s32 @!p0 $0x8200;
	p3 =	sge.u32 s31, s11;
	s1 =	sadd.s32 @!p0 $0xFFFF0000, s29  }
0xd9: {  	[tilespmem:s6], [sflag:$0x3] =	stream.linear.gather @!p0 [hbm4b:s1+s8], $0x4000, $0x38;
	[tilespmem:$0x17280] =	vst v63  }
0xda: {  	s1 =	simm.s32 @!p3 $0x2  }
0xdb: {  	_ =	swait.ge @!p3 [sflag:s1], $0x80  }
0xdc: {  	[sflag:s1] =	ssyncset.done @!p3 $0x0  }
0xdd: {  	[sflag:s1] =	ssyncadd.s32 @!p3 $0xFFFFFF80  }
0xde: {  	_ =	swait.ge @!p3 [sflag:s1], $0x4000  }
0xdf: {  	[sflag:s1] =	ssyncset.done @!p3 $0x0  }
0xe0: {  	s5 =	simm.s32 @!p3 $0x80;
	s8 =	simm.s32 @!p3 $0x4200;
	[sflag:s1] =	ssyncadd.s32 @!p3 $0xFFFFC000  }
0xe1: {  	[spmem:s2] =	stream.indirect.scatter.add.f32 @!p3 [tilespmem:s8], [sflag:$0x6], $0x80, s5, s5, $0xb8;
	[tilespmem:$0x17280] =	vst v63  }
0xe2: {  	s1 =	simm.s32 @!p3 $0x11280;
	s8 =	simm.s32 @!p4 $0x8  }
0xe3: {  	[spmem:s3] =	stream.indirect.scatter.add.f32 @!p3 [tilespmem:s1], [sflag:$0x6], $0x80, s5, s5, $0xb8;
	[tilespmem:$0x17280] =	vst v63  }
0xe4: {  	_ =	swait.ge @!p4 [sflag:s8], $0x4000  }
0xe5: {  	[sflag:s8] =	ssyncset.done @!p4 $0x0  }
0xe6: {  	[sflag:s8] =	ssyncadd.s32 @!p4 $0xFFFFC000  }
0xe7: {  	s12 =	sadd.s32 $0x60, s23;
	_ =	swait.ge @!p4 [sflag:s8], $0x4000  }
0xe8: {  	p5 =	sgt.u32 s12, $0x30C;
	[sflag:s8] =	ssyncset.done @!p4 $0x0  }
0xe9: {  	s1 =	simm.s32 @!p5 $0x0;
	s5 =	simm.s32 @!p5 $0x180;
	[sflag:s8] =	ssyncadd.s32 @!p4 $0xFFFFC000  }
0xea: {  	[tilespmem:s5], [sflag:$0x4] =	stream.linear.gather @!p5 [hbm4b:s30+s1], $0x80, $0x38;
	[tilespmem:$0x17280] =	vst v63  }
0xeb: {  	s10 =	simm.s32 @!p0 $0x3;
	s8 =	simm.s32 @!p5 $0xC200  }
0xec: {  	[tilespmem:s8], [sflag:$0x4] =	stream.linear.gather @!p5 [hbm4b:s29+s1], $0x4000, $0x38;
	[tilespmem:$0x17280] =	vst v63  }
0xed: {  	_ =	swait.ge @!p0 [sflag:s10], $0x80  }
0xee: {  	[sflag:s10] =	ssyncset.done @!p0 $0x0  }
0xef: {  	[sflag:s10] =	ssyncadd.s32 @!p0 $0xFFFFFF80  }
0xf0: {  	_ =	swait.ge @!p0 [sflag:s10], $0x4000  }
0xf1: {  	[sflag:s10] =	ssyncset.done @!p0 $0x0  }
0xf2: {  	s1 =	simm.s32 @!p0 $0x80;
	[sflag:s10] =	ssyncadd.s32 @!p0 $0xFFFFC000  }
0xf3: {  	[spmem:s2] =	stream.indirect.scatter.add.f32 @!p0 [tilespmem:s6], [sflag:$0x7], $0x80, s9, s1, $0xb8;
	[tilespmem:$0x17280] =	vst v63  }
0xf4: {  	s10 =	simm.s32 @!p0 $0x11280;
	s6 =	simm.s32 @!p2 $0x5  }
0xf5: {  	[spmem:s3] =	stream.indirect.scatter.add.f32 @!p0 [tilespmem:s10], [sflag:$0x7], $0x80, s9, s1, $0xb8;
	[tilespmem:$0x17280] =	vst v63  }
0xf6: {  	_ =	swait.ge @!p2 [sflag:s6], $0x4000  }
0xf7: {  	[sflag:s6] =	ssyncset.done @!p2 $0x0  }
0xf8: {  	[sflag:s6] =	ssyncadd.s32 @!p2 $0xFFFFC000  }
0xf9: {  	s19 =	sadd.s32 $0x80, s23;
	_ =	swait.ge @!p2 [sflag:s6], $0x4000  }
0xfa: {  	p0 =	sgt.u32 s19, $0x30C;
	[sflag:s6] =	ssyncset.done @!p2 $0x0  }
0xfb: {  	s1 =	sadd.s32 @!p0 $0x200, s30;
	s9 =	simm.s32 @!p0 $0x0;
	[sflag:s6] =	ssyncadd.s32 @!p2 $0xFFFFC000  }
0xfc: {  	[tilespmem:s9], [sflag:$0x1] =	stream.linear.gather @!p0 [hbm4b:s1+s9], $0x80, $0x38;
	[tilespmem:$0x17280] =	vst v63  }
0xfd: {  	s10 =	simm.s32 @!p0 $0x200;
	s6 =	sadd.s32 @!p0 $0x10000, s29;
	s1 =	simm.s32 @!p5 $0x4  }
0xfe: {  	[tilespmem:s10], [sflag:$0x1] =	stream.linear.gather @!p0 [hbm4b:s6+s9], $0x4000, $0x38;
	[tilespmem:$0x17280] =	vst v63  }
0xff: {  	_ =	swait.ge @!p5 [sflag:s1], $0x80  }
0x100: {  	[sflag:s1] =	ssyncset.done @!p5 $0x0  }
0x101: {  	[sflag:s1] =	ssyncadd.s32 @!p5 $0xFFFFFF80  }
0x102: {  	_ =	swait.ge @!p5 [sflag:s1], $0x4000  }
0x103: {  	[sflag:s1] =	ssyncset.done @!p5 $0x0  }
0x104: {  	s6 =	simm.s32 @!p5 $0x80;
	[sflag:s1] =	ssyncadd.s32 @!p5 $0xFFFFC000  }
0x105: {  	[spmem:s2] =	stream.indirect.scatter.add.f32 @!p5 [tilespmem:s8], [sflag:$0x8], $0x80, s5, s6, $0xb8;
	[tilespmem:$0x17280] =	vst v63  }
0x106: {  	s1 =	simm.s32 @!p5 $0x11280;
	s8 =	simm.s32 @!p3 $0x6  }
0x107: {  	[spmem:s3] =	stream.indirect.scatter.add.f32 @!p5 [tilespmem:s1], [sflag:$0x8], $0x80, s5, s6, $0xb8;
	[tilespmem:$0x17280] =	vst v63  }
0x108: {  	_ =	swait.ge @!p3 [sflag:s8], $0x4000  }
0x109: {  	s0 =	sadd.s32 $0xA0, s23;
	[sflag:s8] =	ssyncset.done @!p3 $0x0  }
0x10a: {  	p0 =	sgt.u32 s0, $0x30C;
	[sflag:s8] =	ssyncadd.s32 @!p3 $0xFFFFC000  }
0x10b: {  	s1 =	sadd.s32 @!p0 $0x400, s30;
	_ =	swait.ge @!p3 [sflag:s8], $0x4000  }
0x10c: {  	s5 =	simm.s32 @!p0 $0x0;
	s21 =	rddreg [dreg:$0x7];
	[sflag:s8] =	ssyncset.done @!p3 $0x0  }
0x10d: {  	s6 =	simm.s32 @!p0 $0x80;
	[sflag:s8] =	ssyncadd.s32 @!p3 $0xFFFFC000;
	p2 =	sge.u32 s28, s21  }
0x10e: {  	[tilespmem:s6], [sflag:$0x2] =	stream.linear.gather @!p0 [hbm4b:s1+s5], $0x80, $0x38;
	[tilespmem:$0x17280] =	vst v63  }
0x10f: {  	s0 =	sadd.s32 @!p0 $0x20000, s29;
	s1 =	simm.s32 @!p0 $0x4200;
	s6 =	simm.s32 @!p2 $0x1  }
0x110: {  	[tilespmem:s1], [sflag:$0x2] =	stream.linear.gather @!p0 [hbm4b:s0+s5], $0x4000, $0x38;
	[tilespmem:$0x17280] =	vst v63  }
0x111: {  	_ =	swait.ge @!p2 [sflag:s6], $0x80  }
0x112: {  	[sflag:s6] =	ssyncset.done @!p2 $0x0  }
0x113: {  	[sflag:s6] =	ssyncadd.s32 @!p2 $0xFFFFFF80  }
0x114: {  	_ =	swait.ge @!p2 [sflag:s6], $0x4000  }
0x115: {  	p4 =	seq.s32 s28, $0x0;
	s0 =	simm.s32 @!p2 $0x80;
	[sflag:s6] =	ssyncset.done @!p2 $0x0  }
0x116: {  	s1 =	simm.s32 @!p2 $0x0;
	s5 =	simm.s32 @!p2 $0x200;
	[sflag:s6] =	ssyncadd.s32 @!p2 $0xFFFFC000  }
0x117: {  	[spmem:s2] =	stream.indirect.scatter.add.f32 @!p2 [tilespmem:s5], [sflag:$0x5], $0x80, s1, s0, $0xb8;
	[tilespmem:$0x17280] =	vst v63  }
0x118: {  	s6 =	simm.s32 @!p4 $0x7;
	s5 =	simm.s32 @!p2 $0x11280  }
0x119: {  	[spmem:s3] =	stream.indirect.scatter.add.f32 @!p2 [tilespmem:s5], [sflag:$0x5], $0x80, s1, s0, $0xb8;
	[tilespmem:$0x17280] =	vst v63  }
0x11a: {  	s21 =	sadd.s32 s28, s7;
	_ =	swait.ge @!p4 [sflag:s6], $0x4000  }
0x11b: {  	s22 =	sadd.s32 $0x40, s21;
	[sflag:s6] =	ssyncset.done @!p4 $0x0  }
0x11c: {  	p0 =	sgt.u32 s22, $0x30C;
	[sflag:s6] =	ssyncadd.s32 @!p4 $0xFFFFC000  }
0x11d: {  	s19 =	sadd.s32 $0x800, s30;
	s8 =	simm.s32 @!p0 $0x0;
	_ =	swait.ge @!p4 [sflag:s6], $0x4000  }
0x11e: {  	s9 =	simm.s32 @!p0 $0x100;
	s0 =	sadd.s32 $0x40000, s29;
	[sflag:s6] =	ssyncset.done @!p4 $0x0  }
0x11f: {  	s1 =	sadd.s32 @!p0 $0xFFFFFE00, s19;
	s23 =	rddreg [dreg:$0x8];
	[sflag:s6] =	ssyncadd.s32 @!p4 $0xFFFFC000  }
0x120: {  	[tilespmem:s9], [sflag:$0x3] =	stream.linear.gather @!p0 [hbm4b:s1+s8], $0x80, $0x38;
	[tilespmem:$0x17280] =	vst v63  }
0x121: {  	s6 =	simm.s32 @!p0 $0x8200;
	p3 =	sge.u32 s28, s23;
	s1 =	sadd.s32 @!p0 $0xFFFF0000, s0  }
0x122: {  	[tilespmem:s6], [sflag:$0x3] =	stream.linear.gather @!p0 [hbm4b:s1+s8], $0x4000, $0x38;
	[tilespmem:$0x17280] =	vst v63  }
0x123: {  	s1 =	simm.s32 @!p3 $0x2  }
0x124: {  	_ =	swait.ge @!p3 [sflag:s1], $0x80  }
0x125: {  	[sflag:s1] =	ssyncset.done @!p3 $0x0  }
0x126: {  	[sflag:s1] =	ssyncadd.s32 @!p3 $0xFFFFFF80  }
0x127: {  	_ =	swait.ge @!p3 [sflag:s1], $0x4000  }
0x128: {  	[sflag:s1] =	ssyncset.done @!p3 $0x0  }
0x129: {  	s5 =	simm.s32 @!p3 $0x80;
	s8 =	simm.s32 @!p3 $0x4200;
	[sflag:s1] =	ssyncadd.s32 @!p3 $0xFFFFC000  }
0x12a: {  	[spmem:s2] =	stream.indirect.scatter.add.f32 @!p3 [tilespmem:s8], [sflag:$0x6], $0x80, s5, s5, $0xb8;
	[tilespmem:$0x17280] =	vst v63  }
0x12b: {  	s1 =	simm.s32 @!p3 $0x11280;
	s8 =	simm.s32 @!p4 $0x8  }
0x12c: {  	[spmem:s3] =	stream.indirect.scatter.add.f32 @!p3 [tilespmem:s1], [sflag:$0x6], $0x80, s5, s5, $0xb8;
	[tilespmem:$0x17280] =	vst v63  }
0x12d: {  	_ =	swait.ge @!p4 [sflag:s8], $0x4000  }
0x12e: {  	[sflag:s8] =	ssyncset.done @!p4 $0x0  }
0x12f: {  	[sflag:s8] =	ssyncadd.s32 @!p4 $0xFFFFC000  }
0x130: {  	s28 =	sadd.s32 $0x60, s21;
	_ =	swait.ge @!p4 [sflag:s8], $0x4000  }
0x131: {  	p5 =	sgt.u32 s28, $0x30C;
	[sflag:s8] =	ssyncset.done @!p4 $0x0  }
0x132: {  	s1 =	simm.s32 @!p5 $0x0;
	s5 =	simm.s32 @!p5 $0x180;
	[sflag:s8] =	ssyncadd.s32 @!p4 $0xFFFFC000  }
0x133: {  	[tilespmem:s5], [sflag:$0x4] =	stream.linear.gather @!p5 [hbm4b:s19+s1], $0x80, $0x38;
	[tilespmem:$0x17280] =	vst v63  }
0x134: {  	s10 =	simm.s32 @!p0 $0x3;
	s8 =	simm.s32 @!p5 $0xC200  }
0x135: {  	[tilespmem:s8], [sflag:$0x4] =	stream.linear.gather @!p5 [hbm4b:s0+s1], $0x4000, $0x38;
	[tilespmem:$0x17280] =	vst v63  }
0x136: {  	_ =	swait.ge @!p0 [sflag:s10], $0x80  }
0x137: {  	[sflag:s10] =	ssyncset.done @!p0 $0x0  }
0x138: {  	[sflag:s10] =	ssyncadd.s32 @!p0 $0xFFFFFF80  }
0x139: {  	_ =	swait.ge @!p0 [sflag:s10], $0x4000  }
0x13a: {  	[sflag:s10] =	ssyncset.done @!p0 $0x0  }
0x13b: {  	s1 =	simm.s32 @!p0 $0x80;
	[sflag:s10] =	ssyncadd.s32 @!p0 $0xFFFFC000  }
0x13c: {  	[spmem:s2] =	stream.indirect.scatter.add.f32 @!p0 [tilespmem:s6], [sflag:$0x7], $0x80, s9, s1, $0xb8;
	[tilespmem:$0x17280] =	vst v63  }
0x13d: {  	s10 =	simm.s32 @!p0 $0x11280;
	s6 =	simm.s32 @!p2 $0x5  }
0x13e: {  	[spmem:s3] =	stream.indirect.scatter.add.f32 @!p0 [tilespmem:s10], [sflag:$0x7], $0x80, s9, s1, $0xb8;
	[tilespmem:$0x17280] =	vst v63  }
0x13f: {  	_ =	swait.ge @!p2 [sflag:s6], $0x4000  }
0x140: {  	[sflag:s6] =	ssyncset.done @!p2 $0x0  }
0x141: {  	[sflag:s6] =	ssyncadd.s32 @!p2 $0xFFFFC000  }
0x142: {  	s29 =	sadd.s32 $0x80, s21;
	_ =	swait.ge @!p2 [sflag:s6], $0x4000  }
0x143: {  	p0 =	sgt.u32 s29, $0x30C;
	[sflag:s6] =	ssyncset.done @!p2 $0x0  }
0x144: {  	s1 =	sadd.s32 @!p0 $0x200, s19;
	s9 =	simm.s32 @!p0 $0x0;
	[sflag:s6] =	ssyncadd.s32 @!p2 $0xFFFFC000  }
0x145: {  	[tilespmem:s9], [sflag:$0x1] =	stream.linear.gather @!p0 [hbm4b:s1+s9], $0x80, $0x38;
	[tilespmem:$0x17280] =	vst v63  }
0x146: {  	s10 =	simm.s32 @!p0 $0x200;
	s6 =	sadd.s32 @!p0 $0x10000, s0;
	s1 =	simm.s32 @!p5 $0x4  }
0x147: {  	[tilespmem:s10], [sflag:$0x1] =	stream.linear.gather @!p0 [hbm4b:s6+s9], $0x4000, $0x38;
	[tilespmem:$0x17280] =	vst v63  }
0x148: {  	_ =	swait.ge @!p5 [sflag:s1], $0x80  }
0x149: {  	[sflag:s1] =	ssyncset.done @!p5 $0x0  }
0x14a: {  	[sflag:s1] =	ssyncadd.s32 @!p5 $0xFFFFFF80  }
0x14b: {  	_ =	swait.ge @!p5 [sflag:s1], $0x4000  }
0x14c: {  	[sflag:s1] =	ssyncset.done @!p5 $0x0  }
0x14d: {  	s6 =	simm.s32 @!p5 $0x80;
	[sflag:s1] =	ssyncadd.s32 @!p5 $0xFFFFC000  }
0x14e: {  	[spmem:s2] =	stream.indirect.scatter.add.f32 @!p5 [tilespmem:s8], [sflag:$0x8], $0x80, s5, s6, $0xb8;
	[tilespmem:$0x17280] =	vst v63  }
0x14f: {  	s1 =	simm.s32 @!p5 $0x11280;
	s8 =	simm.s32 @!p3 $0x6  }
0x150: {  	[spmem:s3] =	stream.indirect.scatter.add.f32 @!p5 [tilespmem:s1], [sflag:$0x8], $0x80, s5, s6, $0xb8;
	[tilespmem:$0x17280] =	vst v63  }
0x151: {  	_ =	swait.ge @!p3 [sflag:s8], $0x4000  }
0x152: {  	[sflag:s8] =	ssyncset.done @!p3 $0x0  }
0x153: {  	s30 =	sadd.s32 $0xA0, s21;
	[sflag:s8] =	ssyncadd.s32 @!p3 $0xFFFFC000  }
0x154: {  	p0 =	sgt.u32 s30, $0x30C;
	_ =	swait.ge @!p3 [sflag:s8], $0x4000  }
0x155: {  	s1 =	sadd.s32 @!p0 $0x400, s19;
	[sflag:s8] =	ssyncset.done @!p3 $0x0  }
0x156: {  	s5 =	simm.s32 @!p0 $0x0;
	s6 =	simm.s32 @!p0 $0x80;
	[sflag:s8] =	ssyncadd.s32 @!p3 $0xFFFFC000  }
0x157: {  	[tilespmem:s6], [sflag:$0x2] =	stream.linear.gather @!p0 [hbm4b:s1+s5], $0x80, $0x38;
	[tilespmem:$0x17280] =	vst v63  }
0x158: {  	s0 =	sadd.s32 @!p0 $0x20000, s0;
	s1 =	simm.s32 @!p0 $0x4200  }
0x159: {  	[tilespmem:s1], [sflag:$0x2] =	stream.linear.gather @!p0 [hbm4b:s0+s5], $0x4000, $0x38;
	[tilespmem:$0x17280] =	vst v63  }
0x15a: {  	s0 =	simm.s32 @!p1 $0x0;
	s1 =	simm.s32 @!p1 $0x10200;
	s5 =	rddreg [dreg:$0xe]  }
0x15b: {  	[tilespmem:s1], [sflag:$0x9] =	stream.linear.gather @!p1 [hbm4b:s5+s0], $0x20, $0x38;
	[tilespmem:$0x17280] =	vst v63  }
0x15c: {  	s5 =	simm.s32 @!p1 $0x9  }
0x15d: {  	_ =	swait.ge @!p1 [sflag:s5], $0x20  }
0x15e: {  	[sflag:s5] =	ssyncset.done @!p1 $0x0  }
0x15f: {  	s6 =	simm.s32 @!p1 $0x10280;
	[sflag:s5] =	ssyncadd.s32 @!p1 $0xFFFFFFE0  }
0x160: {  	[tilespmem:s6], [sflag:$0x9] =	stream.linear.gather @!p1 [hbm4b:s13+s0], $0x1000, $0x38;
	[tilespmem:$0x17280] =	vst v63  }
0x161: {  	_ =	swait.ge @!p1 [sflag:s5], $0x1000  }
0x162: {  	[sflag:s5] =	ssyncset.done @!p1 $0x0  }
0x163: {  	s0 =	simm.s32 @!p1 $0x20;
	[sflag:s5] =	ssyncadd.s32 @!p1 $0xFFFFF000  }
0x164: {  	[spmem:s2] =	stream.indirect.scatter.add.f32 @!p1 [tilespmem:s6], [sflag:$0x9], $0x80, s1, s0, $0xb8;
	[tilespmem:$0x17280] =	vst v63  }
0x165: {  	_ =	swait.ge @!p1 [sflag:s5], $0x1000  }
0x166: {  	[sflag:s5] =	ssyncset.done @!p1 $0x0  }
0x167: {  	s6 =	simm.s32 @!p1 $0x11280;
	[sflag:s5] =	ssyncadd.s32 @!p1 $0xFFFFF000  }
0x168: {  	[spmem:s3] =	stream.indirect.scatter.add.f32 @!p1 [tilespmem:s6], [sflag:$0x9], $0x80, s1, s0, $0xb8;
	[tilespmem:$0x17280] =	vst v63  }
0x169: {  	_ =	swait.ge @!p1 [sflag:s5], $0x1000  }
0x16a: {  	s31 =	stileid.u32;
	[sflag:s5] =	ssyncset.done @!p1 $0x0  }
0x16b: {  	s0 =	sshll.u32 s31, $0x6;
	[sflag:s5] =	ssyncadd.s32 @!p1 $0xFFFFF000  }
0x16c: {  	s0 =	sor.u32 $0x1C09, s0;
	[bflag:$0x0] =	sbarrier.arrive $0xFFFF  }
0x16d: {  	[hbm:s14], [sflag:s0] =	dma.local [spmem:s24], $0x200  }
0x16e: {  	s26 =	sadd.s32 $0x1, s26;
	_ =	swait.ge [sflag:s20], $0x200  }
0x16f: {  	p0 =	sne.s32 s26, s16;
	[sflag:s20] =	ssyncset.done $0x0  }
.Ltmp1:
0x170: {  	[sflag:s20] =	ssyncadd.s32 $0xFFFFFE00;
	(pc) =	sbr.rel @p0 .LBB2_1-.Ltmp1, $4  }
0x171: {  	[hbm:s15], [sflag:s0] =	dma.local [spmem:s25], $0x200  }
0x172: {  	_ =	swait.ge [sflag:s20], $0x200  }
0x173: {  	[sflag:s20] =	ssyncset.done $0x0  }
0x174: {  	[sflag:s20] =	ssyncadd.s32 $0xFFFFFE00  }
0x175: {  	_ =	sfence.sel $0x180000  }
0x176: {  	[bflag:$0x0] =	sbarrier.arrive $0xFFFF  }
0x177: {  	_ =	strace $0x90000047  }
0x178: {  	[bflag:$0x2] =	sbarrier.arrive $0xFFFF  }
0x179: {  	s1 =	sld [smem:$0x7FD];
	_ =	sdelay $0x2  }
0x17a: {  	s0 =	rddreg [dreg:$0x6];
	p0 =	seq.s32 s1, $0x1  }
0x17b: {  	s0 =	sadd.s32 @!p0 $0x100000, s0  }
0x17c: {  	[sflag:s0] =	ssyncadd.tile.s32 @!p0 $0x1;
	_ =	shalt  }
.Lfunc_end2:
_tile_overlayer_lowered:
.L_overlay_start_2:
0x17d: {  	(tag) =	ssettag $0x2  }
0x17e: {  	s0 =	rddreg [dreg:$0x0];
	s2 =	stileid.u32  }
0x17f: {  	s1 =	rddreg [dreg:$0x1];
	p0 =	sne.s32 s2, $0x0  }
0x180: {  	s3 =	rddreg [dreg:$0x2];
	[bflag:$0x3] =	sbarrier.arrive $0xFFFF;
	s2 =	simm.s32 @!p0 $0x1C09  }
0x181: {  	[timem:s3], [sflag:s2] =	dma.local @!p0 [hbm:s0], s1  }
0x182: {  	s0 =	simm.s32 @!p0 $0x9  }
0x183: {  	_ =	swait.ge @!p0 [sflag:s0], s1  }
0x184: {  	s1 =	ssub.s32 @!p0 $0x0, s1;
	[sflag:s0] =	ssyncset.done @!p0 $0x0  }
0x185: {  	[sflag:s0] =	ssyncadd.s32 @!p0 s1  }
0x186: {  	[bflag:$0x3] =	sbarrier.arrive $0xFFFF  }
0x187: {  	_ =	shalt  }

</sc_bundles>
